<compile_context>
chip_gen: v7x
topology: tpu7x:2x2x1
jax: 0.10.2.dev20260603
libtpu: 0.0.44.dev20260713+nightly
codegen_flags: <defaults>
</compile_context>

<pallas_src>
import functools

import jax
import jax.numpy as jnp
from jax import lax
from jax.experimental import pallas as pl
from jax.experimental.pallas import tpu as pltpu
from jax.experimental.pallas import tpu_sc as plsc

BATCH = 16384
DIM = 128
TBL = 1000000
TBLP = 8192 * 128

_INFO = plsc.get_sparse_core_info()
_NC = _INFO.num_cores
_NS = _INFO.num_subcores
_NW = _NC * _NS
_BPW = BATCH // _NW
_CHUNK = 64
_NBUF = 4
_NCHUNK = _BPW // _CHUNK

_CBLK = 524288
_MVBLK = 8192


def _pad_body(bu_ref, bi_ref, obu_ref, obi_ref):
    obu_ref[:, :] = bu_ref[:, :]
    obi_ref[:, :] = bi_ref[:, :]


def _mv_body(w_ref, b_ref, f_ref, o_ref):
    r = jax.lax.dot_general(f_ref[:, :], w_ref[:, :],
                            (((1,), (1,)), ((), ())),
                            preferred_element_type=jnp.float32)
    o_ref[:] = r[:, 0] + b_ref[0]


def _comb_body(lin_ref, g_ref, o_ref):
    o_ref[:] = lin_ref[:] + g_ref[:]


def _sc_body(ut_hbm, it_hbm, uid_hbm, iid_hbm, out_hbm,
             uidx_v, iidx_v, urow_v, irow_v, acc_v,
             rows_u0, rows_u1, rows_u2, rows_u3,
             rows_i0, rows_i1, rows_i2, rows_i3,
             sem_a, sem_b, sem_u0, sem_u1, sem_u2, sem_u3,
             sem_i0, sem_i1, sem_i2, sem_i3):
    wid = lax.axis_index("s") * _NC + lax.axis_index("c")
    base = wid * _BPW
    cu = pltpu.async_copy(uid_hbm.at[pl.ds(base, _BPW)], uidx_v, sem_a)
    ci = pltpu.async_copy(iid_hbm.at[pl.ds(base, _BPW)], iidx_v, sem_b)
    cu.wait()
    ci.wait()

    seven = jnp.full((16,), 7, jnp.int32)
    low7 = jnp.full((16,), 127, jnp.int32)
    lane = lax.iota(jnp.int32, 16)
    for s in range(_BPW // 16):
        sl = pl.ds(s * 16, 16)
        urow_v[sl] = lax.shift_right_logical(uidx_v[sl], seven)
        irow_v[sl] = lax.shift_right_logical(iidx_v[sl], seven)

    bufs_u = (rows_u0, rows_u1, rows_u2, rows_u3)
    bufs_i = (rows_i0, rows_i1, rows_i2, rows_i3)
    sems_u = (sem_u0, sem_u1, sem_u2, sem_u3)
    sems_i = (sem_i0, sem_i1, sem_i2, sem_i3)

    def fire(j):
        slc = pl.ds(j * _CHUNK, _CHUNK)
        hu = pltpu.async_copy(ut_hbm.at[urow_v.at[slc]], bufs_u[j % _NBUF],
                              sems_u[j % _NBUF])
        hi = pltpu.async_copy(it_hbm.at[irow_v.at[slc]], bufs_i[j % _NBUF],
                              sems_i[j % _NBUF])
        return hu, hi

    handles = [None] * _NCHUNK
    for j in range(min(_NBUF, _NCHUNK)):
        handles[j] = fire(j)
    for j in range(_NCHUNK):
        hu, hi = handles[j]
        hu.wait()
        hi.wait()
        ru, ri = bufs_u[j % _NBUF], bufs_i[j % _NBUF]
        for k in range(_CHUNK // 16):
            sl_abs = pl.ds(j * _CHUNK + k * 16, 16)
            rid = jnp.full((16,), k * 16, jnp.int32) + lane
            ucol = uidx_v[sl_abs] & low7
            icol = iidx_v[sl_abs] & low7
            vu = plsc.load_gather(ru, [rid, ucol])
            vi = plsc.load_gather(ri, [rid, icol])
            acc_v[sl_abs] = vu + vi
        if j + _NBUF < _NCHUNK:
            handles[j + _NBUF] = fire(j + _NBUF)

    pltpu.sync_copy(acc_v, out_hbm.at[pl.ds(base, _BPW)])


def _sc_call(ut2, it2, uid, iid):
    mesh = plsc.VectorSubcoreMesh(core_axis_name="c", subcore_axis_name="s")
    fn = functools.partial(
        pl.kernel,
        mesh=mesh,
        compiler_params=pltpu.CompilerParams(needs_layout_passes=False),
        out_type=jax.ShapeDtypeStruct((BATCH,), jnp.float32),
        scratch_types=[
            pltpu.VMEM((_BPW,), jnp.int32),
            pltpu.VMEM((_BPW,), jnp.int32),
            pltpu.VMEM((_BPW,), jnp.int32),
            pltpu.VMEM((_BPW,), jnp.int32),
            pltpu.VMEM((_BPW,), jnp.float32),
            pltpu.VMEM((_CHUNK, 128), jnp.float32),
            pltpu.VMEM((_CHUNK, 128), jnp.float32),
            pltpu.VMEM((_CHUNK, 128), jnp.float32),
            pltpu.VMEM((_CHUNK, 128), jnp.float32),
            pltpu.VMEM((_CHUNK, 128), jnp.float32),
            pltpu.VMEM((_CHUNK, 128), jnp.float32),
            pltpu.VMEM((_CHUNK, 128), jnp.float32),
            pltpu.VMEM((_CHUNK, 128), jnp.float32),
            pltpu.SemaphoreType.DMA,
            pltpu.SemaphoreType.DMA,
            pltpu.SemaphoreType.DMA,
            pltpu.SemaphoreType.DMA,
            pltpu.SemaphoreType.DMA,
            pltpu.SemaphoreType.DMA,
            pltpu.SemaphoreType.DMA,
            pltpu.SemaphoreType.DMA,
            pltpu.SemaphoreType.DMA,
            pltpu.SemaphoreType.DMA,
        ],
    )(_sc_body)
    return fn(ut2, it2, uid, iid)


def kernel(feature, user_id, item_id, fc_w, fc_b, b_users, b_items):
    uid = user_id.astype(jnp.int32)
    iid = item_id.astype(jnp.int32)

    bu1 = b_users.reshape(1, TBL)
    bi1 = b_items.reshape(1, TBL)
    oup, oip = pl.pallas_call(
        _pad_body,
        grid=(TBLP // _CBLK,),
        in_specs=[
            pl.BlockSpec((1, _CBLK), lambda i: (0, i)),
            pl.BlockSpec((1, _CBLK), lambda i: (0, i)),
        ],
        out_specs=[
            pl.BlockSpec((1, _CBLK), lambda i: (0, i)),
            pl.BlockSpec((1, _CBLK), lambda i: (0, i)),
        ],
        out_shape=[
            jax.ShapeDtypeStruct((1, TBLP), jnp.float32),
            jax.ShapeDtypeStruct((1, TBLP), jnp.float32),
        ],
    )(bu1, bi1)
    ut2 = oup.reshape(TBLP // 128, 128)
    it2 = oip.reshape(TBLP // 128, 128)

    g = _sc_call(ut2, it2, uid, iid)

    lin = pl.pallas_call(
        _mv_body,
        grid=(BATCH // _MVBLK,),
        in_specs=[
            pl.BlockSpec((1, DIM), lambda i: (0, 0)),
            pl.BlockSpec(memory_space=pltpu.SMEM),
            pl.BlockSpec((_MVBLK, DIM), lambda i: (i, 0)),
        ],
        out_specs=pl.BlockSpec((_MVBLK,), lambda i: (i,)),
        out_shape=jax.ShapeDtypeStruct((BATCH,), jnp.float32),
    )(fc_w, fc_b, feature)

    out1d = pl.pallas_call(
        _comb_body,
        in_specs=[
            pl.BlockSpec((BATCH,), lambda: (0,)),
            pl.BlockSpec((BATCH,), lambda: (0,)),
        ],
        out_specs=pl.BlockSpec((BATCH,), lambda: (0,)),
        out_shape=jax.ShapeDtypeStruct((BATCH,), jnp.float32),
    )(lin, g)
    return out1d.reshape(BATCH, 1)

# --- scband reference (transcript-rebuilt; emitter-appended) ---
"""Pipeline reference for scband-lfm-net-8057358648067 (READ-ONLY COPY).

The authoritative reference and input builder live on the scoring server;
editing this copy changes nothing except your own understanding.
"""

import jax, jax.numpy as jnp
import numpy as np

DIM = 128
USER_NUM = 1000000
ITEM_NUM = 1000000
BATCH = 16384

def setup_inputs(seed: int = 0) -> dict:
    key = jax.random.key(seed)
    k1, k2, k3, k4 = jax.random.split(key, 4)
    feature = jax.random.normal(k1, (BATCH, DIM), dtype=jnp.float32)
    user_id = jax.random.randint(k2, (BATCH,), 0, USER_NUM, dtype=jnp.int64 if jax.config.jax_enable_x64 else jnp.int32)
    item_id = jax.random.randint(k3, (BATCH,), 0, ITEM_NUM, dtype=jnp.int64 if jax.config.jax_enable_x64 else jnp.int32)
    # fc: Linear(dim, 1) -> weight [1, dim] init uniform(-0.1, 0.1), bias [1] = 0.1
    fc_w = jax.random.uniform(k4, (1, DIM), dtype=jnp.float32, minval=-0.1, maxval=0.1)
    fc_b = jnp.full((1,), 0.1, dtype=jnp.float32)
    # bias tables initialized to constant 0.1 per init_weight
    b_users = jnp.full((USER_NUM, 1), 0.1, dtype=jnp.float32)
    b_items = jnp.full((ITEM_NUM, 1), 0.1, dtype=jnp.float32)
    return {"feature": feature, "user_id": user_id, "item_id": item_id,
            "fc_w": fc_w, "fc_b": fc_b, "b_users": b_users, "b_items": b_items}

def reference(feature, user_id, item_id, fc_w, fc_b, b_users, b_items):
    # fc(feature): [B, dim] @ [dim, 1] + [1]
    lin = jnp.dot(feature, fc_w.T) + fc_b  # [B, 1]
    bu = jnp.take(b_users, user_id, axis=0)  # [B, 1]
    bi = jnp.take(b_items, item_id, axis=0)  # [B, 1]
    return lin + bu + bi

if __name__ == "__main__":
    import jax
    _d = setup_inputs()
    print(jax.jit(kernel)(*tuple(_d.values())))

</pallas_src>

<mosaic_0001>
#map = affine_map<(d0, d1) -> (0, 0)>
#map1 = affine_map<(d0, d1) -> (0)>
module attributes {stable_mosaic.version = 14 : i64} {
  func.func @_sc_body(%arg0: i32, %arg1: i32, %arg2: memref<8192x128xf32, #tpu.memory_space<hbm>>, %arg3: memref<8192x128xf32, #tpu.memory_space<hbm>>, %arg4: memref<16384xi32, #tpu.memory_space<hbm>>, %arg5: memref<16384xi32, #tpu.memory_space<hbm>>, %arg6: memref<16384xf32, #tpu.memory_space<hbm>>, %arg7: memref<512xi32, #tpu.memory_space<vmem>>, %arg8: memref<512xi32, #tpu.memory_space<vmem>>, %arg9: memref<512xi32, #tpu.memory_space<vmem>>, %arg10: memref<512xi32, #tpu.memory_space<vmem>>, %arg11: memref<512xf32, #tpu.memory_space<vmem>>, %arg12: memref<64x128xf32, #tpu.memory_space<vmem>>, %arg13: memref<64x128xf32, #tpu.memory_space<vmem>>, %arg14: memref<64x128xf32, #tpu.memory_space<vmem>>, %arg15: memref<64x128xf32, #tpu.memory_space<vmem>>, %arg16: memref<64x128xf32, #tpu.memory_space<vmem>>, %arg17: memref<64x128xf32, #tpu.memory_space<vmem>>, %arg18: memref<64x128xf32, #tpu.memory_space<vmem>>, %arg19: memref<64x128xf32, #tpu.memory_space<vmem>>, %arg20: memref<!tpu.dma_semaphore, #tpu.memory_space<semaphore_mem>>, %arg21: memref<!tpu.dma_semaphore, #tpu.memory_space<semaphore_mem>>, %arg22: memref<!tpu.dma_semaphore, #tpu.memory_space<semaphore_mem>>, %arg23: memref<!tpu.dma_semaphore, #tpu.memory_space<semaphore_mem>>, %arg24: memref<!tpu.dma_semaphore, #tpu.memory_space<semaphore_mem>>, %arg25: memref<!tpu.dma_semaphore, #tpu.memory_space<semaphore_mem>>, %arg26: memref<!tpu.dma_semaphore, #tpu.memory_space<semaphore_mem>>, %arg27: memref<!tpu.dma_semaphore, #tpu.memory_space<semaphore_mem>>, %arg28: memref<!tpu.dma_semaphore, #tpu.memory_space<semaphore_mem>>, %arg29: memref<!tpu.dma_semaphore, #tpu.memory_space<semaphore_mem>>) attributes {dimension_semantics = [#tpu.dimension_semantics<core_parallel>, #tpu.dimension_semantics<subcore_parallel>], iteration_bounds = array<i64: 2, 16>, scalar_prefetch = 0 : i64, scratch_operands = 23 : i64, tpu.core_type = #tpu.core_type<sc_vector_subcore>, window_params = [{transform_indices = #map}, {transform_indices = #map}, {transform_indices = #map1}, {transform_indices = #map1}, {transform_indices = #map1}]} {
    %mul3A = arith.constant 2 : i32
    %mul3A_0 = arith.muli %arg1, %mul3A : i32
    %add3A = arith.addi %mul3A_0, %arg0 : i32
    %mul3A_1 = arith.constant 512 : i32
    %mul3A_2 = arith.muli %add3A, %mul3A_1 : i32
    %dma_start3A = tpu.memref_slice %arg4[%mul3A_2] : memref<16384xi32, #tpu.memory_space<hbm>> -> memref<512xi32, #tpu.memory_space<hbm>>
    %dma_start3A_3 = tpu.memref_slice %arg4[%mul3A_2] : memref<16384xi32, #tpu.memory_space<hbm>> -> memref<512xi32, #tpu.memory_space<hbm>>
    tpu.enqueue_dma source(%dma_start3A_3 : memref<512xi32, #tpu.memory_space<hbm>>) target(%arg7 : memref<512xi32, #tpu.memory_space<vmem>>) target_semaphore(%arg20 : memref<!tpu.dma_semaphore, #tpu.memory_space<semaphore_mem>>)
    %dma_start3A_4 = tpu.memref_slice %arg5[%mul3A_2] : memref<16384xi32, #tpu.memory_space<hbm>> -> memref<512xi32, #tpu.memory_space<hbm>>
    %dma_start3A_5 = tpu.memref_slice %arg5[%mul3A_2] : memref<16384xi32, #tpu.memory_space<hbm>> -> memref<512xi32, #tpu.memory_space<hbm>>
    tpu.enqueue_dma source(%dma_start3A_5 : memref<512xi32, #tpu.memory_space<hbm>>) target(%arg8 : memref<512xi32, #tpu.memory_space<vmem>>) target_semaphore(%arg21 : memref<!tpu.dma_semaphore, #tpu.memory_space<semaphore_mem>>)
    %dma_wait3A = tpu.memref_slice %arg4[%mul3A_2] : memref<16384xi32, #tpu.memory_space<hbm>> -> memref<512xi32, #tpu.memory_space<hbm>>
    %dma_wait3A_6 = tpu.memref_slice %arg4[%mul3A_2] : memref<16384xi32, #tpu.memory_space<hbm>> -> memref<512xi32, #tpu.memory_space<hbm>>
    tpu.wait_dma2 semaphore(%arg20 : memref<!tpu.dma_semaphore, #tpu.memory_space<semaphore_mem>>) src(%dma_wait3A_6 : memref<512xi32, #tpu.memory_space<hbm>>) dst(%arg7 : memref<512xi32, #tpu.memory_space<vmem>>)
    %dma_wait3A_7 = tpu.memref_slice %arg5[%mul3A_2] : memref<16384xi32, #tpu.memory_space<hbm>> -> memref<512xi32, #tpu.memory_space<hbm>>
    %dma_wait3A_8 = tpu.memref_slice %arg5[%mul3A_2] : memref<16384xi32, #tpu.memory_space<hbm>> -> memref<512xi32, #tpu.memory_space<hbm>>
    tpu.wait_dma2 semaphore(%arg21 : memref<!tpu.dma_semaphore, #tpu.memory_space<semaphore_mem>>) src(%dma_wait3A_8 : memref<512xi32, #tpu.memory_space<hbm>>) dst(%arg8 : memref<512xi32, #tpu.memory_space<vmem>>)
    %broadcast_in_dim3A = arith.constant 7 : i32
    %broadcast_in_dim3A_9 = vector.broadcast %broadcast_in_dim3A : i32 to vector<16xi32>
    %broadcast_in_dim3A_10 = arith.constant 127 : i32
    %broadcast_in_dim3A_11 = vector.broadcast %broadcast_in_dim3A_10 : i32 to vector<16xi32>
    %iota3A = tpu.iota {dimensions = array<i32: 0>} : vector<16xi32>
    %get3A = arith.constant 0 : index
    %get3A_12 = tpu.vector_load %arg7[%get3A] {strides = array<i32>} : memref<512xi32, #tpu.memory_space<vmem>>, vector<16xi32>,
    %shift_right_logical3A = arith.shrui %get3A_12, %broadcast_in_dim3A_9 : vector<16xi32>
    %swap3A = arith.constant 0 : index
    %swap3A_13 = tpu.vector_load %arg9[%swap3A] {strides = array<i32>} : memref<512xi32, #tpu.memory_space<vmem>>, vector<16xi32>,
    tpu.vector_store %arg9[%swap3A], %shift_right_logical3A {strides = array<i32>} : memref<512xi32, #tpu.memory_space<vmem>>, vector<16xi32>,
    %get3A_14 = arith.constant 0 : index
    %get3A_15 = tpu.vector_load %arg8[%get3A_14] {strides = array<i32>} : memref<512xi32, #tpu.memory_space<vmem>>, vector<16xi32>,
    %shift_right_logical3A_16 = arith.shrui %get3A_15, %broadcast_in_dim3A_9 : vector<16xi32>
    %swap3A_17 = arith.constant 0 : index
    %swap3A_18 = tpu.vector_load %arg10[%swap3A_17] {strides = array<i32>} : memref<512xi32, #tpu.memory_space<vmem>>, vector<16xi32>,
    tpu.vector_store %arg10[%swap3A_17], %shift_right_logical3A_16 {strides = array<i32>} : memref<512xi32, #tpu.memory_space<vmem>>, vector<16xi32>,
    %get3A_19 = arith.constant 16 : index
    %get3A_20 = tpu.vector_load %arg7[%get3A_19] {strides = array<i32>} : memref<512xi32, #tpu.memory_space<vmem>>, vector<16xi32>,
    %shift_right_logical3A_21 = arith.shrui %get3A_20, %broadcast_in_dim3A_9 : vector<16xi32>
    %swap3A_22 = arith.constant 16 : index
    %swap3A_23 = tpu.vector_load %arg9[%swap3A_22] {strides = array<i32>} : memref<512xi32, #tpu.memory_space<vmem>>, vector<16xi32>,
    tpu.vector_store %arg9[%swap3A_22], %shift_right_logical3A_21 {strides = array<i32>} : memref<512xi32, #tpu.memory_space<vmem>>, vector<16xi32>,
    %get3A_24 = arith.constant 16 : index
    %get3A_25 = tpu.vector_load %arg8[%get3A_24] {strides = array<i32>} : memref<512xi32, #tpu.memory_space<vmem>>, vector<16xi32>,
    %shift_right_logical3A_26 = arith.shrui %get3A_25, %broadcast_in_dim3A_9 : vector<16xi32>
    %swap3A_27 = arith.constant 16 : index
    %swap3A_28 = tpu.vector_load %arg10[%swap3A_27] {strides = array<i32>} : memref<512xi32, #tpu.memory_space<vmem>>, vector<16xi32>,
    tpu.vector_store %arg10[%swap3A_27], %shift_right_logical3A_26 {strides = array<i32>} : memref<512xi32, #tpu.memory_space<vmem>>, vector<16xi32>,
    %get3A_29 = arith.constant 32 : index
    %get3A_30 = tpu.vector_load %arg7[%get3A_29] {strides = array<i32>} : memref<512xi32, #tpu.memory_space<vmem>>, vector<16xi32>,
    %shift_right_logical3A_31 = arith.shrui %get3A_30, %broadcast_in_dim3A_9 : vector<16xi32>
    %swap3A_32 = arith.constant 32 : index
    %swap3A_33 = tpu.vector_load %arg9[%swap3A_32] {strides = array<i32>} : memref<512xi32, #tpu.memory_space<vmem>>, vector<16xi32>,
    tpu.vector_store %arg9[%swap3A_32], %shift_right_logical3A_31 {strides = array<i32>} : memref<512xi32, #tpu.memory_space<vmem>>, vector<16xi32>,
    %get3A_34 = arith.constant 32 : index
    %get3A_35 = tpu.vector_load %arg8[%get3A_34] {strides = array<i32>} : memref<512xi32, #tpu.memory_space<vmem>>, vector<16xi32>,
    %shift_right_logical3A_36 = arith.shrui %get3A_35, %broadcast_in_dim3A_9 : vector<16xi32>
    %swap3A_37 = arith.constant 32 : index
    %swap3A_38 = tpu.vector_load %arg10[%swap3A_37] {strides = array<i32>} : memref<512xi32, #tpu.memory_space<vmem>>, vector<16xi32>,
    tpu.vector_store %arg10[%swap3A_37], %shift_right_logical3A_36 {strides = array<i32>} : memref<512xi32, #tpu.memory_space<vmem>>, vector<16xi32>,
    %get3A_39 = arith.constant 48 : index
    %get3A_40 = tpu.vector_load %arg7[%get3A_39] {strides = array<i32>} : memref<512xi32, #tpu.memory_space<vmem>>, vector<16xi32>,
    %shift_right_logical3A_41 = arith.shrui %get3A_40, %broadcast_in_dim3A_9 : vector<16xi32>
    %swap3A_42 = arith.constant 48 : index
    %swap3A_43 = tpu.vector_load %arg9[%swap3A_42] {strides = array<i32>} : memref<512xi32, #tpu.memory_space<vmem>>, vector<16xi32>,
    tpu.vector_store %arg9[%swap3A_42], %shift_right_logical3A_41 {strides = array<i32>} : memref<512xi32, #tpu.memory_space<vmem>>, vector<16xi32>,
    %get3A_44 = arith.constant 48 : index
    %get3A_45 = tpu.vector_load %arg8[%get3A_44] {strides = array<i32>} : memref<512xi32, #tpu.memory_space<vmem>>, vector<16xi32>,
    %shift_right_logical3A_46 = arith.shrui %get3A_45, %broadcast_in_dim3A_9 : vector<16xi32>
    %swap3A_47 = arith.constant 48 : index
    %swap3A_48 = tpu.vector_load %arg10[%swap3A_47] {strides = array<i32>} : memref<512xi32, #tpu.memory_space<vmem>>, vector<16xi32>,
    tpu.vector_store %arg10[%swap3A_47], %shift_right_logical3A_46 {strides = array<i32>} : memref<512xi32, #tpu.memory_space<vmem>>, vector<16xi32>,
    %get3A_49 = arith.constant 64 : index
    %get3A_50 = tpu.vector_load %arg7[%get3A_49] {strides = array<i32>} : memref<512xi32, #tpu.memory_space<vmem>>, vector<16xi32>,
    %shift_right_logical3A_51 = arith.shrui %get3A_50, %broadcast_in_dim3A_9 : vector<16xi32>
    %swap3A_52 = arith.constant 64 : index
    %swap3A_53 = tpu.vector_load %arg9[%swap3A_52] {strides = array<i32>} : memref<512xi32, #tpu.memory_space<vmem>>, vector<16xi32>,
    tpu.vector_store %arg9[%swap3A_52], %shift_right_logical3A_51 {strides = array<i32>} : memref<512xi32, #tpu.memory_space<vmem>>, vector<16xi32>,
    %get3A_54 = arith.constant 64 : index
    %get3A_55 = tpu.vector_load %arg8[%get3A_54] {strides = array<i32>} : memref<512xi32, #tpu.memory_space<vmem>>, vector<16xi32>,
    %shift_right_logical3A_56 = arith.shrui %get3A_55, %broadcast_in_dim3A_9 : vector<16xi32>
    %swap3A_57 = arith.constant 64 : index
    %swap3A_58 = tpu.vector_load %arg10[%swap3A_57] {strides = array<i32>} : memref<512xi32, #tpu.memory_space<vmem>>, vector<16xi32>,
    tpu.vector_store %arg10[%swap3A_57], %shift_right_logical3A_56 {strides = array<i32>} : memref<512xi32, #tpu.memory_space<vmem>>, vector<16xi32>,
    %get3A_59 = arith.constant 80 : index
    %get3A_60 = tpu.vector_load %arg7[%get3A_59] {strides = array<i32>} : memref<512xi32, #tpu.memory_space<vmem>>, vector<16xi32>,
    %shift_right_logical3A_61 = arith.shrui %get3A_60, %broadcast_in_dim3A_9 : vector<16xi32>
    %swap3A_62 = arith.constant 80 : index
    %swap3A_63 = tpu.vector_load %arg9[%swap3A_62] {strides = array<i32>} : memref<512xi32, #tpu.memory_space<vmem>>, vector<16xi32>,
    tpu.vector_store %arg9[%swap3A_62], %shift_right_logical3A_61 {strides = array<i32>} : memref<512xi32, #tpu.memory_space<vmem>>, vector<16xi32>,
    %get3A_64 = arith.constant 80 : index
    %get3A_65 = tpu.vector_load %arg8[%get3A_64] {strides = array<i32>} : memref<512xi32, #tpu.memory_space<vmem>>, vector<16xi32>,
    %shift_right_logical3A_66 = arith.shrui %get3A_65, %broadcast_in_dim3A_9 : vector<16xi32>
    %swap3A_67 = arith.constant 80 : index
    %swap3A_68 = tpu.vector_load %arg10[%swap3A_67] {strides = array<i32>} : memref<512xi32, #tpu.memory_space<vmem>>, vector<16xi32>,
    tpu.vector_store %arg10[%swap3A_67], %shift_right_logical3A_66 {strides = array<i32>} : memref<512xi32, #tpu.memory_space<vmem>>, vector<16xi32>,
    %get3A_69 = arith.constant 96 : index
    %get3A_70 = tpu.vector_load %arg7[%get3A_69] {strides = array<i32>} : memref<512xi32, #tpu.memory_space<vmem>>, vector<16xi32>,
    %shift_right_logical3A_71 = arith.shrui %get3A_70, %broadcast_in_dim3A_9 : vector<16xi32>
    %swap3A_72 = arith.constant 96 : index
    %swap3A_73 = tpu.vector_load %arg9[%swap3A_72] {strides = array<i32>} : memref<512xi32, #tpu.memory_space<vmem>>, vector<16xi32>,
    tpu.vector_store %arg9[%swap3A_72], %shift_right_logical3A_71 {strides = array<i32>} : memref<512xi32, #tpu.memory_space<vmem>>, vector<16xi32>,
    %get3A_74 = arith.constant 96 : index
    %get3A_75 = tpu.vector_load %arg8[%get3A_74] {strides = array<i32>} : memref<512xi32, #tpu.memory_space<vmem>>, vector<16xi32>,
    %shift_right_logical3A_76 = arith.shrui %get3A_75, %broadcast_in_dim3A_9 : vector<16xi32>
    %swap3A_77 = arith.constant 96 : index
    %swap3A_78 = tpu.vector_load %arg10[%swap3A_77] {strides = array<i32>} : memref<512xi32, #tpu.memory_space<vmem>>, vector<16xi32>,
    tpu.vector_store %arg10[%swap3A_77], %shift_right_logical3A_76 {strides = array<i32>} : memref<512xi32, #tpu.memory_space<vmem>>, vector<16xi32>,
    %get3A_79 = arith.constant 112 : index
    %get3A_80 = tpu.vector_load %arg7[%get3A_79] {strides = array<i32>} : memref<512xi32, #tpu.memory_space<vmem>>, vector<16xi32>,
    %shift_right_logical3A_81 = arith.shrui %get3A_80, %broadcast_in_dim3A_9 : vector<16xi32>
    %swap3A_82 = arith.constant 112 : index
    %swap3A_83 = tpu.vector_load %arg9[%swap3A_82] {strides = array<i32>} : memref<512xi32, #tpu.memory_space<vmem>>, vector<16xi32>,
    tpu.vector_store %arg9[%swap3A_82], %shift_right_logical3A_81 {strides = array<i32>} : memref<512xi32, #tpu.memory_space<vmem>>, vector<16xi32>,
    %get3A_84 = arith.constant 112 : index
    %get3A_85 = tpu.vector_load %arg8[%get3A_84] {strides = array<i32>} : memref<512xi32, #tpu.memory_space<vmem>>, vector<16xi32>,
    %shift_right_logical3A_86 = arith.shrui %get3A_85, %broadcast_in_dim3A_9 : vector<16xi32>
    %swap3A_87 = arith.constant 112 : index
    %swap3A_88 = tpu.vector_load %arg10[%swap3A_87] {strides = array<i32>} : memref<512xi32, #tpu.memory_space<vmem>>, vector<16xi32>,
    tpu.vector_store %arg10[%swap3A_87], %shift_right_logical3A_86 {strides = array<i32>} : memref<512xi32, #tpu.memory_space<vmem>>, vector<16xi32>,
    %get3A_89 = arith.constant 128 : index
    %get3A_90 = tpu.vector_load %arg7[%get3A_89] {strides = array<i32>} : memref<512xi32, #tpu.memory_space<vmem>>, vector<16xi32>,
    %shift_right_logical3A_91 = arith.shrui %get3A_90, %broadcast_in_dim3A_9 : vector<16xi32>
    %swap3A_92 = arith.constant 128 : index
    %swap3A_93 = tpu.vector_load %arg9[%swap3A_92] {strides = array<i32>} : memref<512xi32, #tpu.memory_space<vmem>>, vector<16xi32>,
    tpu.vector_store %arg9[%swap3A_92], %shift_right_logical3A_91 {strides = array<i32>} : memref<512xi32, #tpu.memory_space<vmem>>, vector<16xi32>,
    %get3A_94 = arith.constant 128 : index
    %get3A_95 = tpu.vector_load %arg8[%get3A_94] {strides = array<i32>} : memref<512xi32, #tpu.memory_space<vmem>>, vector<16xi32>,
    %shift_right_logical3A_96 = arith.shrui %get3A_95, %broadcast_in_dim3A_9 : vector<16xi32>
    %swap3A_97 = arith.constant 128 : index
    %swap3A_98 = tpu.vector_load %arg10[%swap3A_97] {strides = array<i32>} : memref<512xi32, #tpu.memory_space<vmem>>, vector<16xi32>,
    tpu.vector_store %arg10[%swap3A_97], %shift_right_logical3A_96 {strides = array<i32>} : memref<512xi32, #tpu.memory_space<vmem>>, vector<16xi32>,
    %get3A_99 = arith.constant 144 : index
    %get3A_100 = tpu.vector_load %arg7[%get3A_99] {strides = array<i32>} : memref<512xi32, #tpu.memory_space<vmem>>, vector<16xi32>,
    %shift_right_logical3A_101 = arith.shrui %get3A_100, %broadcast_in_dim3A_9 : vector<16xi32>
    %swap3A_102 = arith.constant 144 : index
    %swap3A_103 = tpu.vector_load %arg9[%swap3A_102] {strides = array<i32>} : memref<512xi32, #tpu.memory_space<vmem>>, vector<16xi32>,
    tpu.vector_store %arg9[%swap3A_102], %shift_right_logical3A_101 {strides = array<i32>} : memref<512xi32, #tpu.memory_space<vmem>>, vector<16xi32>,
    %get3A_104 = arith.constant 144 : index
    %get3A_105 = tpu.vector_load %arg8[%get3A_104] {strides = array<i32>} : memref<512xi32, #tpu.memory_space<vmem>>, vector<16xi32>,
    %shift_right_logical3A_106 = arith.shrui %get3A_105, %broadcast_in_dim3A_9 : vector<16xi32>
    %swap3A_107 = arith.constant 144 : index
    %swap3A_108 = tpu.vector_load %arg10[%swap3A_107] {strides = array<i32>} : memref<512xi32, #tpu.memory_space<vmem>>, vector<16xi32>,
    tpu.vector_store %arg10[%swap3A_107], %shift_right_logical3A_106 {strides = array<i32>} : memref<512xi32, #tpu.memory_space<vmem>>, vector<16xi32>,
    %get3A_109 = arith.constant 160 : index
    %get3A_110 = tpu.vector_load %arg7[%get3A_109] {strides = array<i32>} : memref<512xi32, #tpu.memory_space<vmem>>, vector<16xi32>,
    %shift_right_logical3A_111 = arith.shrui %get3A_110, %broadcast_in_dim3A_9 : vector<16xi32>
    %swap3A_112 = arith.constant 160 : index
    %swap3A_113 = tpu.vector_load %arg9[%swap3A_112] {strides = array<i32>} : memref<512xi32, #tpu.memory_space<vmem>>, vector<16xi32>,
    tpu.vector_store %arg9[%swap3A_112], %shift_right_logical3A_111 {strides = array<i32>} : memref<512xi32, #tpu.memory_space<vmem>>, vector<16xi32>,
    %get3A_114 = arith.constant 160 : index
    %get3A_115 = tpu.vector_load %arg8[%get3A_114] {strides = array<i32>} : memref<512xi32, #tpu.memory_space<vmem>>, vector<16xi32>,
    %shift_right_logical3A_116 = arith.shrui %get3A_115, %broadcast_in_dim3A_9 : vector<16xi32>
    %swap3A_117 = arith.constant 160 : index
    %swap3A_118 = tpu.vector_load %arg10[%swap3A_117] {strides = array<i32>} : memref<512xi32, #tpu.memory_space<vmem>>, vector<16xi32>,
    tpu.vector_store %arg10[%swap3A_117], %shift_right_logical3A_116 {strides = array<i32>} : memref<512xi32, #tpu.memory_space<vmem>>, vector<16xi32>,
    %get3A_119 = arith.constant 176 : index
    %get3A_120 = tpu.vector_load %arg7[%get3A_119] {strides = array<i32>} : memref<512xi32, #tpu.memory_space<vmem>>, vector<16xi32>,
    %shift_right_logical3A_121 = arith.shrui %get3A_120, %broadcast_in_dim3A_9 : vector<16xi32>
    %swap3A_122 = arith.constant 176 : index
    %swap3A_123 = tpu.vector_load %arg9[%swap3A_122] {strides = array<i32>} : memref<512xi32, #tpu.memory_space<vmem>>, vector<16xi32>,
    tpu.vector_store %arg9[%swap3A_122], %shift_right_logical3A_121 {strides = array<i32>} : memref<512xi32, #tpu.memory_space<vmem>>, vector<16xi32>,
    %get3A_124 = arith.constant 176 : index
    %get3A_125 = tpu.vector_load %arg8[%get3A_124] {strides = array<i32>} : memref<512xi32, #tpu.memory_space<vmem>>, vector<16xi32>,
    %shift_right_logical3A_126 = arith.shrui %get3A_125, %broadcast_in_dim3A_9 : vector<16xi32>
    %swap3A_127 = arith.constant 176 : index
    %swap3A_128 = tpu.vector_load %arg10[%swap3A_127] {strides = array<i32>} : memref<512xi32, #tpu.memory_space<vmem>>, vector<16xi32>,
    tpu.vector_store %arg10[%swap3A_127], %shift_right_logical3A_126 {strides = array<i32>} : memref<512xi32, #tpu.memory_space<vmem>>, vector<16xi32>,
    %get3A_129 = arith.constant 192 : index
    %get3A_130 = tpu.vector_load %arg7[%get3A_129] {strides = array<i32>} : memref<512xi32, #tpu.memory_space<vmem>>, vector<16xi32>,
    %shift_right_logical3A_131 = arith.shrui %get3A_130, %broadcast_in_dim3A_9 : vector<16xi32>
    %swap3A_132 = arith.constant 192 : index
    %swap3A_133 = tpu.vector_load %arg9[%swap3A_132] {strides = array<i32>} : memref<512xi32, #tpu.memory_space<vmem>>, vector<16xi32>,
    tpu.vector_store %arg9[%swap3A_132], %shift_right_logical3A_131 {strides = array<i32>} : memref<512xi32, #tpu.memory_space<vmem>>, vector<16xi32>,
    %get3A_134 = arith.constant 192 : index
    %get3A_135 = tpu.vector_load %arg8[%get3A_134] {strides = array<i32>} : memref<512xi32, #tpu.memory_space<vmem>>, vector<16xi32>,
    %shift_right_logical3A_136 = arith.shrui %get3A_135, %broadcast_in_dim3A_9 : vector<16xi32>
    %swap3A_137 = arith.constant 192 : index
    %swap3A_138 = tpu.vector_load %arg10[%swap3A_137] {strides = array<i32>} : memref<512xi32, #tpu.memory_space<vmem>>, vector<16xi32>,
    tpu.vector_store %arg10[%swap3A_137], %shift_right_logical3A_136 {strides = array<i32>} : memref<512xi32, #tpu.memory_space<vmem>>, vector<16xi32>,
    %get3A_139 = arith.constant 208 : index
    %get3A_140 = tpu.vector_load %arg7[%get3A_139] {strides = array<i32>} : memref<512xi32, #tpu.memory_space<vmem>>, vector<16xi32>,
    %shift_right_logical3A_141 = arith.shrui %get3A_140, %broadcast_in_dim3A_9 : vector<16xi32>
    %swap3A_142 = arith.constant 208 : index
    %swap3A_143 = tpu.vector_load %arg9[%swap3A_142] {strides = array<i32>} : memref<512xi32, #tpu.memory_space<vmem>>, vector<16xi32>,
    tpu.vector_store %arg9[%swap3A_142], %shift_right_logical3A_141 {strides = array<i32>} : memref<512xi32, #tpu.memory_space<vmem>>, vector<16xi32>,
    %get3A_144 = arith.constant 208 : index
    %get3A_145 = tpu.vector_load %arg8[%get3A_144] {strides = array<i32>} : memref<512xi32, #tpu.memory_space<vmem>>, vector<16xi32>,
    %shift_right_logical3A_146 = arith.shrui %get3A_145, %broadcast_in_dim3A_9 : vector<16xi32>
    %swap3A_147 = arith.constant 208 : index
    %swap3A_148 = tpu.vector_load %arg10[%swap3A_147] {strides = array<i32>} : memref<512xi32, #tpu.memory_space<vmem>>, vector<16xi32>,
    tpu.vector_store %arg10[%swap3A_147], %shift_right_logical3A_146 {strides = array<i32>} : memref<512xi32, #tpu.memory_space<vmem>>, vector<16xi32>,
    %get3A_149 = arith.constant 224 : index
    %get3A_150 = tpu.vector_load %arg7[%get3A_149] {strides = array<i32>} : memref<512xi32, #tpu.memory_space<vmem>>, vector<16xi32>,
    %shift_right_logical3A_151 = arith.shrui %get3A_150, %broadcast_in_dim3A_9 : vector<16xi32>
    %swap3A_152 = arith.constant 224 : index
    %swap3A_153 = tpu.vector_load %arg9[%swap3A_152] {strides = array<i32>} : memref<512xi32, #tpu.memory_space<vmem>>, vector<16xi32>,
    tpu.vector_store %arg9[%swap3A_152], %shift_right_logical3A_151 {strides = array<i32>} : memref<512xi32, #tpu.memory_space<vmem>>, vector<16xi32>,
    %get3A_154 = arith.constant 224 : index
    %get3A_155 = tpu.vector_load %arg8[%get3A_154] {strides = array<i32>} : memref<512xi32, #tpu.memory_space<vmem>>, vector<16xi32>,
    %shift_right_logical3A_156 = arith.shrui %get3A_155, %broadcast_in_dim3A_9 : vector<16xi32>
    %swap3A_157 = arith.constant 224 : index
    %swap3A_158 = tpu.vector_load %arg10[%swap3A_157] {strides = array<i32>} : memref<512xi32, #tpu.memory_space<vmem>>, vector<16xi32>,
    tpu.vector_store %arg10[%swap3A_157], %shift_right_logical3A_156 {strides = array<i32>} : memref<512xi32, #tpu.memory_space<vmem>>, vector<16xi32>,
    %get3A_159 = arith.constant 240 : index
    %get3A_160 = tpu.vector_load %arg7[%get3A_159] {strides = array<i32>} : memref<512xi32, #tpu.memory_space<vmem>>, vector<16xi32>,
    %shift_right_logical3A_161 = arith.shrui %get3A_160, %broadcast_in_dim3A_9 : vector<16xi32>
    %swap3A_162 = arith.constant 240 : index
    %swap3A_163 = tpu.vector_load %arg9[%swap3A_162] {strides = array<i32>} : memref<512xi32, #tpu.memory_space<vmem>>, vector<16xi32>,
    tpu.vector_store %arg9[%swap3A_162], %shift_right_logical3A_161 {strides = array<i32>} : memref<512xi32, #tpu.memory_space<vmem>>, vector<16xi32>,
    %get3A_164 = arith.constant 240 : index
    %get3A_165 = tpu.vector_load %arg8[%get3A_164] {strides = array<i32>} : memref<512xi32, #tpu.memory_space<vmem>>, vector<16xi32>,
    %shift_right_logical3A_166 = arith.shrui %get3A_165, %broadcast_in_dim3A_9 : vector<16xi32>
    %swap3A_167 = arith.constant 240 : index
    %swap3A_168 = tpu.vector_load %arg10[%swap3A_167] {strides = array<i32>} : memref<512xi32, #tpu.memory_space<vmem>>, vector<16xi32>,
    tpu.vector_store %arg10[%swap3A_167], %shift_right_logical3A_166 {strides = array<i32>} : memref<512xi32, #tpu.memory_space<vmem>>, vector<16xi32>,
    %get3A_169 = arith.constant 256 : index
    %get3A_170 = tpu.vector_load %arg7[%get3A_169] {strides = array<i32>} : memref<512xi32, #tpu.memory_space<vmem>>, vector<16xi32>,
    %shift_right_logical3A_171 = arith.shrui %get3A_170, %broadcast_in_dim3A_9 : vector<16xi32>
    %swap3A_172 = arith.constant 256 : index
    %swap3A_173 = tpu.vector_load %arg9[%swap3A_172] {strides = array<i32>} : memref<512xi32, #tpu.memory_space<vmem>>, vector<16xi32>,
    tpu.vector_store %arg9[%swap3A_172], %shift_right_logical3A_171 {strides = array<i32>} : memref<512xi32, #tpu.memory_space<vmem>>, vector<16xi32>,
    %get3A_174 = arith.constant 256 : index
    %get3A_175 = tpu.vector_load %arg8[%get3A_174] {strides = array<i32>} : memref<512xi32, #tpu.memory_space<vmem>>, vector<16xi32>,
    %shift_right_logical3A_176 = arith.shrui %get3A_175, %broadcast_in_dim3A_9 : vector<16xi32>
    %swap3A_177 = arith.constant 256 : index
    %swap3A_178 = tpu.vector_load %arg10[%swap3A_177] {strides = array<i32>} : memref<512xi32, #tpu.memory_space<vmem>>, vector<16xi32>,
    tpu.vector_store %arg10[%swap3A_177], %shift_right_logical3A_176 {strides = array<i32>} : memref<512xi32, #tpu.memory_space<vmem>>, vector<16xi32>,
    %get3A_179 = arith.constant 272 : index
    %get3A_180 = tpu.vector_load %arg7[%get3A_179] {strides = array<i32>} : memref<512xi32, #tpu.memory_space<vmem>>, vector<16xi32>,
    %shift_right_logical3A_181 = arith.shrui %get3A_180, %broadcast_in_dim3A_9 : vector<16xi32>
    %swap3A_182 = arith.constant 272 : index
    %swap3A_183 = tpu.vector_load %arg9[%swap3A_182] {strides = array<i32>} : memref<512xi32, #tpu.memory_space<vmem>>, vector<16xi32>,
    tpu.vector_store %arg9[%swap3A_182], %shift_right_logical3A_181 {strides = array<i32>} : memref<512xi32, #tpu.memory_space<vmem>>, vector<16xi32>,
    %get3A_184 = arith.constant 272 : index
    %get3A_185 = tpu.vector_load %arg8[%get3A_184] {strides = array<i32>} : memref<512xi32, #tpu.memory_space<vmem>>, vector<16xi32>,
    %shift_right_logical3A_186 = arith.shrui %get3A_185, %broadcast_in_dim3A_9 : vector<16xi32>
    %swap3A_187 = arith.constant 272 : index
    %swap3A_188 = tpu.vector_load %arg10[%swap3A_187] {strides = array<i32>} : memref<512xi32, #tpu.memory_space<vmem>>, vector<16xi32>,
    tpu.vector_store %arg10[%swap3A_187], %shift_right_logical3A_186 {strides = array<i32>} : memref<512xi32, #tpu.memory_space<vmem>>, vector<16xi32>,
    %get3A_189 = arith.constant 288 : index
    %get3A_190 = tpu.vector_load %arg7[%get3A_189] {strides = array<i32>} : memref<512xi32, #tpu.memory_space<vmem>>, vector<16xi32>,
    %shift_right_logical3A_191 = arith.shrui %get3A_190, %broadcast_in_dim3A_9 : vector<16xi32>
    %swap3A_192 = arith.constant 288 : index
    %swap3A_193 = tpu.vector_load %arg9[%swap3A_192] {strides = array<i32>} : memref<512xi32, #tpu.memory_space<vmem>>, vector<16xi32>,
    tpu.vector_store %arg9[%swap3A_192], %shift_right_logical3A_191 {strides = array<i32>} : memref<512xi32, #tpu.memory_space<vmem>>, vector<16xi32>,
    %get3A_194 = arith.constant 288 : index
    %get3A_195 = tpu.vector_load %arg8[%get3A_194] {strides = array<i32>} : memref<512xi32, #tpu.memory_space<vmem>>, vector<16xi32>,
    %shift_right_logical3A_196 = arith.shrui %get3A_195, %broadcast_in_dim3A_9 : vector<16xi32>
    %swap3A_197 = arith.constant 288 : index
    %swap3A_198 = tpu.vector_load %arg10[%swap3A_197] {strides = array<i32>} : memref<512xi32, #tpu.memory_space<vmem>>, vector<16xi32>,
    tpu.vector_store %arg10[%swap3A_197], %shift_right_logical3A_196 {strides = array<i32>} : memref<512xi32, #tpu.memory_space<vmem>>, vector<16xi32>,
    %get3A_199 = arith.constant 304 : index
    %get3A_200 = tpu.vector_load %arg7[%get3A_199] {strides = array<i32>} : memref<512xi32, #tpu.memory_space<vmem>>, vector<16xi32>,
    %shift_right_logical3A_201 = arith.shrui %get3A_200, %broadcast_in_dim3A_9 : vector<16xi32>
    %swap3A_202 = arith.constant 304 : index
    %swap3A_203 = tpu.vector_load %arg9[%swap3A_202] {strides = array<i32>} : memref<512xi32, #tpu.memory_space<vmem>>, vector<16xi32>,
    tpu.vector_store %arg9[%swap3A_202], %shift_right_logical3A_201 {strides = array<i32>} : memref<512xi32, #tpu.memory_space<vmem>>, vector<16xi32>,
    %get3A_204 = arith.constant 304 : index
    %get3A_205 = tpu.vector_load %arg8[%get3A_204] {strides = array<i32>} : memref<512xi32, #tpu.memory_space<vmem>>, vector<16xi32>,
    %shift_right_logical3A_206 = arith.shrui %get3A_205, %broadcast_in_dim3A_9 : vector<16xi32>
    %swap3A_207 = arith.constant 304 : index
    %swap3A_208 = tpu.vector_load %arg10[%swap3A_207] {strides = array<i32>} : memref<512xi32, #tpu.memory_space<vmem>>, vector<16xi32>,
    tpu.vector_store %arg10[%swap3A_207], %shift_right_logical3A_206 {strides = array<i32>} : memref<512xi32, #tpu.memory_space<vmem>>, vector<16xi32>,
    %get3A_209 = arith.constant 320 : index
    %get3A_210 = tpu.vector_load %arg7[%get3A_209] {strides = array<i32>} : memref<512xi32, #tpu.memory_space<vmem>>, vector<16xi32>,
    %shift_right_logical3A_211 = arith.shrui %get3A_210, %broadcast_in_dim3A_9 : vector<16xi32>
    %swap3A_212 = arith.constant 320 : index
    %swap3A_213 = tpu.vector_load %arg9[%swap3A_212] {strides = array<i32>} : memref<512xi32, #tpu.memory_space<vmem>>, vector<16xi32>,
    tpu.vector_store %arg9[%swap3A_212], %shift_right_logical3A_211 {strides = array<i32>} : memref<512xi32, #tpu.memory_space<vmem>>, vector<16xi32>,
    %get3A_214 = arith.constant 320 : index
    %get3A_215 = tpu.vector_load %arg8[%get3A_214] {strides = array<i32>} : memref<512xi32, #tpu.memory_space<vmem>>, vector<16xi32>,
    %shift_right_logical3A_216 = arith.shrui %get3A_215, %broadcast_in_dim3A_9 : vector<16xi32>
    %swap3A_217 = arith.constant 320 : index
    %swap3A_218 = tpu.vector_load %arg10[%swap3A_217] {strides = array<i32>} : memref<512xi32, #tpu.memory_space<vmem>>, vector<16xi32>,
    tpu.vector_store %arg10[%swap3A_217], %shift_right_logical3A_216 {strides = array<i32>} : memref<512xi32, #tpu.memory_space<vmem>>, vector<16xi32>,
    %get3A_219 = arith.constant 336 : index
    %get3A_220 = tpu.vector_load %arg7[%get3A_219] {strides = array<i32>} : memref<512xi32, #tpu.memory_space<vmem>>, vector<16xi32>,
    %shift_right_logical3A_221 = arith.shrui %get3A_220, %broadcast_in_dim3A_9 : vector<16xi32>
    %swap3A_222 = arith.constant 336 : index
    %swap3A_223 = tpu.vector_load %arg9[%swap3A_222] {strides = array<i32>} : memref<512xi32, #tpu.memory_space<vmem>>, vector<16xi32>,
    tpu.vector_store %arg9[%swap3A_222], %shift_right_logical3A_221 {strides = array<i32>} : memref<512xi32, #tpu.memory_space<vmem>>, vector<16xi32>,
    %get3A_224 = arith.constant 336 : index
    %get3A_225 = tpu.vector_load %arg8[%get3A_224] {strides = array<i32>} : memref<512xi32, #tpu.memory_space<vmem>>, vector<16xi32>,
    %shift_right_logical3A_226 = arith.shrui %get3A_225, %broadcast_in_dim3A_9 : vector<16xi32>
    %swap3A_227 = arith.constant 336 : index
    %swap3A_228 = tpu.vector_load %arg10[%swap3A_227] {strides = array<i32>} : memref<512xi32, #tpu.memory_space<vmem>>, vector<16xi32>,
    tpu.vector_store %arg10[%swap3A_227], %shift_right_logical3A_226 {strides = array<i32>} : memref<512xi32, #tpu.memory_space<vmem>>, vector<16xi32>,
    %get3A_229 = arith.constant 352 : index
    %get3A_230 = tpu.vector_load %arg7[%get3A_229] {strides = array<i32>} : memref<512xi32, #tpu.memory_space<vmem>>, vector<16xi32>,
    %shift_right_logical3A_231 = arith.shrui %get3A_230, %broadcast_in_dim3A_9 : vector<16xi32>
    %swap3A_232 = arith.constant 352 : index
    %swap3A_233 = tpu.vector_load %arg9[%swap3A_232] {strides = array<i32>} : memref<512xi32, #tpu.memory_space<vmem>>, vector<16xi32>,
    tpu.vector_store %arg9[%swap3A_232], %shift_right_logical3A_231 {strides = array<i32>} : memref<512xi32, #tpu.memory_space<vmem>>, vector<16xi32>,
    %get3A_234 = arith.constant 352 : index
    %get3A_235 = tpu.vector_load %arg8[%get3A_234] {strides = array<i32>} : memref<512xi32, #tpu.memory_space<vmem>>, vector<16xi32>,
    %shift_right_logical3A_236 = arith.shrui %get3A_235, %broadcast_in_dim3A_9 : vector<16xi32>
    %swap3A_237 = arith.constant 352 : index
    %swap3A_238 = tpu.vector_load %arg10[%swap3A_237] {strides = array<i32>} : memref<512xi32, #tpu.memory_space<vmem>>, vector<16xi32>,
    tpu.vector_store %arg10[%swap3A_237], %shift_right_logical3A_236 {strides = array<i32>} : memref<512xi32, #tpu.memory_space<vmem>>, vector<16xi32>,
    %get3A_239 = arith.constant 368 : index
    %get3A_240 = tpu.vector_load %arg7[%get3A_239] {strides = array<i32>} : memref<512xi32, #tpu.memory_space<vmem>>, vector<16xi32>,
    %shift_right_logical3A_241 = arith.shrui %get3A_240, %broadcast_in_dim3A_9 : vector<16xi32>
    %swap3A_242 = arith.constant 368 : index
    %swap3A_243 = tpu.vector_load %arg9[%swap3A_242] {strides = array<i32>} : memref<512xi32, #tpu.memory_space<vmem>>, vector<16xi32>,
    tpu.vector_store %arg9[%swap3A_242], %shift_right_logical3A_241 {strides = array<i32>} : memref<512xi32, #tpu.memory_space<vmem>>, vector<16xi32>,
    %get3A_244 = arith.constant 368 : index
    %get3A_245 = tpu.vector_load %arg8[%get3A_244] {strides = array<i32>} : memref<512xi32, #tpu.memory_space<vmem>>, vector<16xi32>,
    %shift_right_logical3A_246 = arith.shrui %get3A_245, %broadcast_in_dim3A_9 : vector<16xi32>
    %swap3A_247 = arith.constant 368 : index
    %swap3A_248 = tpu.vector_load %arg10[%swap3A_247] {strides = array<i32>} : memref<512xi32, #tpu.memory_space<vmem>>, vector<16xi32>,
    tpu.vector_store %arg10[%swap3A_247], %shift_right_logical3A_246 {strides = array<i32>} : memref<512xi32, #tpu.memory_space<vmem>>, vector<16xi32>,
    %get3A_249 = arith.constant 384 : index
    %get3A_250 = tpu.vector_load %arg7[%get3A_249] {strides = array<i32>} : memref<512xi32, #tpu.memory_space<vmem>>, vector<16xi32>,
    %shift_right_logical3A_251 = arith.shrui %get3A_250, %broadcast_in_dim3A_9 : vector<16xi32>
    %swap3A_252 = arith.constant 384 : index
    %swap3A_253 = tpu.vector_load %arg9[%swap3A_252] {strides = array<i32>} : memref<512xi32, #tpu.memory_space<vmem>>, vector<16xi32>,
    tpu.vector_store %arg9[%swap3A_252], %shift_right_logical3A_251 {strides = array<i32>} : memref<512xi32, #tpu.memory_space<vmem>>, vector<16xi32>,
    %get3A_254 = arith.constant 384 : index
    %get3A_255 = tpu.vector_load %arg8[%get3A_254] {strides = array<i32>} : memref<512xi32, #tpu.memory_space<vmem>>, vector<16xi32>,
    %shift_right_logical3A_256 = arith.shrui %get3A_255, %broadcast_in_dim3A_9 : vector<16xi32>
    %swap3A_257 = arith.constant 384 : index
    %swap3A_258 = tpu.vector_load %arg10[%swap3A_257] {strides = array<i32>} : memref<512xi32, #tpu.memory_space<vmem>>, vector<16xi32>,
    tpu.vector_store %arg10[%swap3A_257], %shift_right_logical3A_256 {strides = array<i32>} : memref<512xi32, #tpu.memory_space<vmem>>, vector<16xi32>,
    %get3A_259 = arith.constant 400 : index
    %get3A_260 = tpu.vector_load %arg7[%get3A_259] {strides = array<i32>} : memref<512xi32, #tpu.memory_space<vmem>>, vector<16xi32>,
    %shift_right_logical3A_261 = arith.shrui %get3A_260, %broadcast_in_dim3A_9 : vector<16xi32>
    %swap3A_262 = arith.constant 400 : index
    %swap3A_263 = tpu.vector_load %arg9[%swap3A_262] {strides = array<i32>} : memref<512xi32, #tpu.memory_space<vmem>>, vector<16xi32>,
    tpu.vector_store %arg9[%swap3A_262], %shift_right_logical3A_261 {strides = array<i32>} : memref<512xi32, #tpu.memory_space<vmem>>, vector<16xi32>,
    %get3A_264 = arith.constant 400 : index
    %get3A_265 = tpu.vector_load %arg8[%get3A_264] {strides = array<i32>} : memref<512xi32, #tpu.memory_space<vmem>>, vector<16xi32>,
    %shift_right_logical3A_266 = arith.shrui %get3A_265, %broadcast_in_dim3A_9 : vector<16xi32>
    %swap3A_267 = arith.constant 400 : index
    %swap3A_268 = tpu.vector_load %arg10[%swap3A_267] {strides = array<i32>} : memref<512xi32, #tpu.memory_space<vmem>>, vector<16xi32>,
    tpu.vector_store %arg10[%swap3A_267], %shift_right_logical3A_266 {strides = array<i32>} : memref<512xi32, #tpu.memory_space<vmem>>, vector<16xi32>,
    %get3A_269 = arith.constant 416 : index
    %get3A_270 = tpu.vector_load %arg7[%get3A_269] {strides = array<i32>} : memref<512xi32, #tpu.memory_space<vmem>>, vector<16xi32>,
    %shift_right_logical3A_271 = arith.shrui %get3A_270, %broadcast_in_dim3A_9 : vector<16xi32>
    %swap3A_272 = arith.constant 416 : index
    %swap3A_273 = tpu.vector_load %arg9[%swap3A_272] {strides = array<i32>} : memref<512xi32, #tpu.memory_space<vmem>>, vector<16xi32>,
    tpu.vector_store %arg9[%swap3A_272], %shift_right_logical3A_271 {strides = array<i32>} : memref<512xi32, #tpu.memory_space<vmem>>, vector<16xi32>,
    %get3A_274 = arith.constant 416 : index
    %get3A_275 = tpu.vector_load %arg8[%get3A_274] {strides = array<i32>} : memref<512xi32, #tpu.memory_space<vmem>>, vector<16xi32>,
    %shift_right_logical3A_276 = arith.shrui %get3A_275, %broadcast_in_dim3A_9 : vector<16xi32>
    %swap3A_277 = arith.constant 416 : index
    %swap3A_278 = tpu.vector_load %arg10[%swap3A_277] {strides = array<i32>} : memref<512xi32, #tpu.memory_space<vmem>>, vector<16xi32>,
    tpu.vector_store %arg10[%swap3A_277], %shift_right_logical3A_276 {strides = array<i32>} : memref<512xi32, #tpu.memory_space<vmem>>, vector<16xi32>,
    %get3A_279 = arith.constant 432 : index
    %get3A_280 = tpu.vector_load %arg7[%get3A_279] {strides = array<i32>} : memref<512xi32, #tpu.memory_space<vmem>>, vector<16xi32>,
    %shift_right_logical3A_281 = arith.shrui %get3A_280, %broadcast_in_dim3A_9 : vector<16xi32>
    %swap3A_282 = arith.constant 432 : index
    %swap3A_283 = tpu.vector_load %arg9[%swap3A_282] {strides = array<i32>} : memref<512xi32, #tpu.memory_space<vmem>>, vector<16xi32>,
    tpu.vector_store %arg9[%swap3A_282], %shift_right_logical3A_281 {strides = array<i32>} : memref<512xi32, #tpu.memory_space<vmem>>, vector<16xi32>,
    %get3A_284 = arith.constant 432 : index
    %get3A_285 = tpu.vector_load %arg8[%get3A_284] {strides = array<i32>} : memref<512xi32, #tpu.memory_space<vmem>>, vector<16xi32>,
    %shift_right_logical3A_286 = arith.shrui %get3A_285, %broadcast_in_dim3A_9 : vector<16xi32>
    %swap3A_287 = arith.constant 432 : index
    %swap3A_288 = tpu.vector_load %arg10[%swap3A_287] {strides = array<i32>} : memref<512xi32, #tpu.memory_space<vmem>>, vector<16xi32>,
    tpu.vector_store %arg10[%swap3A_287], %shift_right_logical3A_286 {strides = array<i32>} : memref<512xi32, #tpu.memory_space<vmem>>, vector<16xi32>,
    %get3A_289 = arith.constant 448 : index
    %get3A_290 = tpu.vector_load %arg7[%get3A_289] {strides = array<i32>} : memref<512xi32, #tpu.memory_space<vmem>>, vector<16xi32>,
    %shift_right_logical3A_291 = arith.shrui %get3A_290, %broadcast_in_dim3A_9 : vector<16xi32>
    %swap3A_292 = arith.constant 448 : index
    %swap3A_293 = tpu.vector_load %arg9[%swap3A_292] {strides = array<i32>} : memref<512xi32, #tpu.memory_space<vmem>>, vector<16xi32>,
    tpu.vector_store %arg9[%swap3A_292], %shift_right_logical3A_291 {strides = array<i32>} : memref<512xi32, #tpu.memory_space<vmem>>, vector<16xi32>,
    %get3A_294 = arith.constant 448 : index
    %get3A_295 = tpu.vector_load %arg8[%get3A_294] {strides = array<i32>} : memref<512xi32, #tpu.memory_space<vmem>>, vector<16xi32>,
    %shift_right_logical3A_296 = arith.shrui %get3A_295, %broadcast_in_dim3A_9 : vector<16xi32>
    %swap3A_297 = arith.constant 448 : index
    %swap3A_298 = tpu.vector_load %arg10[%swap3A_297] {strides = array<i32>} : memref<512xi32, #tpu.memory_space<vmem>>, vector<16xi32>,
    tpu.vector_store %arg10[%swap3A_297], %shift_right_logical3A_296 {strides = array<i32>} : memref<512xi32, #tpu.memory_space<vmem>>, vector<16xi32>,
    %get3A_299 = arith.constant 464 : index
    %get3A_300 = tpu.vector_load %arg7[%get3A_299] {strides = array<i32>} : memref<512xi32, #tpu.memory_space<vmem>>, vector<16xi32>,
    %shift_right_logical3A_301 = arith.shrui %get3A_300, %broadcast_in_dim3A_9 : vector<16xi32>
    %swap3A_302 = arith.constant 464 : index
    %swap3A_303 = tpu.vector_load %arg9[%swap3A_302] {strides = array<i32>} : memref<512xi32, #tpu.memory_space<vmem>>, vector<16xi32>,
    tpu.vector_store %arg9[%swap3A_302], %shift_right_logical3A_301 {strides = array<i32>} : memref<512xi32, #tpu.memory_space<vmem>>, vector<16xi32>,
    %get3A_304 = arith.constant 464 : index
    %get3A_305 = tpu.vector_load %arg8[%get3A_304] {strides = array<i32>} : memref<512xi32, #tpu.memory_space<vmem>>, vector<16xi32>,
    %shift_right_logical3A_306 = arith.shrui %get3A_305, %broadcast_in_dim3A_9 : vector<16xi32>
    %swap3A_307 = arith.constant 464 : index
    %swap3A_308 = tpu.vector_load %arg10[%swap3A_307] {strides = array<i32>} : memref<512xi32, #tpu.memory_space<vmem>>, vector<16xi32>,
    tpu.vector_store %arg10[%swap3A_307], %shift_right_logical3A_306 {strides = array<i32>} : memref<512xi32, #tpu.memory_space<vmem>>, vector<16xi32>,
    %get3A_309 = arith.constant 480 : index
    %get3A_310 = tpu.vector_load %arg7[%get3A_309] {strides = array<i32>} : memref<512xi32, #tpu.memory_space<vmem>>, vector<16xi32>,
    %shift_right_logical3A_311 = arith.shrui %get3A_310, %broadcast_in_dim3A_9 : vector<16xi32>
    %swap3A_312 = arith.constant 480 : index
    %swap3A_313 = tpu.vector_load %arg9[%swap3A_312] {strides = array<i32>} : memref<512xi32, #tpu.memory_space<vmem>>, vector<16xi32>,
    tpu.vector_store %arg9[%swap3A_312], %shift_right_logical3A_311 {strides = array<i32>} : memref<512xi32, #tpu.memory_space<vmem>>, vector<16xi32>,
    %get3A_314 = arith.constant 480 : index
    %get3A_315 = tpu.vector_load %arg8[%get3A_314] {strides = array<i32>} : memref<512xi32, #tpu.memory_space<vmem>>, vector<16xi32>,
    %shift_right_logical3A_316 = arith.shrui %get3A_315, %broadcast_in_dim3A_9 : vector<16xi32>
    %swap3A_317 = arith.constant 480 : index
    %swap3A_318 = tpu.vector_load %arg10[%swap3A_317] {strides = array<i32>} : memref<512xi32, #tpu.memory_space<vmem>>, vector<16xi32>,
    tpu.vector_store %arg10[%swap3A_317], %shift_right_logical3A_316 {strides = array<i32>} : memref<512xi32, #tpu.memory_space<vmem>>, vector<16xi32>,
    %get3A_319 = arith.constant 496 : index
    %get3A_320 = tpu.vector_load %arg7[%get3A_319] {strides = array<i32>} : memref<512xi32, #tpu.memory_space<vmem>>, vector<16xi32>,
    %shift_right_logical3A_321 = arith.shrui %get3A_320, %broadcast_in_dim3A_9 : vector<16xi32>
    %swap3A_322 = arith.constant 496 : index
    %swap3A_323 = tpu.vector_load %arg9[%swap3A_322] {strides = array<i32>} : memref<512xi32, #tpu.memory_space<vmem>>, vector<16xi32>,
    tpu.vector_store %arg9[%swap3A_322], %shift_right_logical3A_321 {strides = array<i32>} : memref<512xi32, #tpu.memory_space<vmem>>, vector<16xi32>,
    %get3A_324 = arith.constant 496 : index
    %get3A_325 = tpu.vector_load %arg8[%get3A_324] {strides = array<i32>} : memref<512xi32, #tpu.memory_space<vmem>>, vector<16xi32>,
    %shift_right_logical3A_326 = arith.shrui %get3A_325, %broadcast_in_dim3A_9 : vector<16xi32>
    %swap3A_327 = arith.constant 496 : index
    %swap3A_328 = tpu.vector_load %arg10[%swap3A_327] {strides = array<i32>} : memref<512xi32, #tpu.memory_space<vmem>>, vector<16xi32>,
    tpu.vector_store %arg10[%swap3A_327], %shift_right_logical3A_326 {strides = array<i32>} : memref<512xi32, #tpu.memory_space<vmem>>, vector<16xi32>,
    %dma_start3A_329 = arith.constant 0 : i32
    %dma_start3A_330 = tpu.memref_slice %arg9[%dma_start3A_329] : memref<512xi32, #tpu.memory_space<vmem>> -> memref<64xi32, #tpu.memory_space<vmem>>
    %dma_start3A_331 = arith.constant 0 : i32
    %dma_start3A_332 = arith.constant 0 : i32
    %dma_start3A_333 = tpu.memref_slice %arg2[%dma_start3A_331, %dma_start3A_332] : memref<8192x128xf32, #tpu.memory_space<hbm>> -> memref<8192x128xf32, #tpu.memory_space<hbm>>
    tpu.enqueue_indirect_dma source(%dma_start3A_333 : memref<8192x128xf32, #tpu.memory_space<hbm>>) target(%arg12 : memref<64x128xf32, #tpu.memory_space<vmem>>) offsets(%dma_start3A_330 : memref<64xi32, #tpu.memory_space<vmem>>) semaphore(%arg22 : memref<!tpu.dma_semaphore, #tpu.memory_space<semaphore_mem>>)
    %dma_start3A_334 = arith.constant 0 : i32
    %dma_start3A_335 = tpu.memref_slice %arg10[%dma_start3A_334] : memref<512xi32, #tpu.memory_space<vmem>> -> memref<64xi32, #tpu.memory_space<vmem>>
    %dma_start3A_336 = arith.constant 0 : i32
    %dma_start3A_337 = arith.constant 0 : i32
    %dma_start3A_338 = tpu.memref_slice %arg3[%dma_start3A_336, %dma_start3A_337] : memref<8192x128xf32, #tpu.memory_space<hbm>> -> memref<8192x128xf32, #tpu.memory_space<hbm>>
    tpu.enqueue_indirect_dma source(%dma_start3A_338 : memref<8192x128xf32, #tpu.memory_space<hbm>>) target(%arg16 : memref<64x128xf32, #tpu.memory_space<vmem>>) offsets(%dma_start3A_335 : memref<64xi32, #tpu.memory_space<vmem>>) semaphore(%arg26 : memref<!tpu.dma_semaphore, #tpu.memory_space<semaphore_mem>>)
    %dma_start3A_339 = arith.constant 64 : i32
    %dma_start3A_340 = tpu.memref_slice %arg9[%dma_start3A_339] : memref<512xi32, #tpu.memory_space<vmem>> -> memref<64xi32, #tpu.memory_space<vmem>>
    %dma_start3A_341 = arith.constant 0 : i32
    %dma_start3A_342 = arith.constant 0 : i32
    %dma_start3A_343 = tpu.memref_slice %arg2[%dma_start3A_341, %dma_start3A_342] : memref<8192x128xf32, #tpu.memory_space<hbm>> -> memref<8192x128xf32, #tpu.memory_space<hbm>>
    tpu.enqueue_indirect_dma source(%dma_start3A_343 : memref<8192x128xf32, #tpu.memory_space<hbm>>) target(%arg13 : memref<64x128xf32, #tpu.memory_space<vmem>>) offsets(%dma_start3A_340 : memref<64xi32, #tpu.memory_space<vmem>>) semaphore(%arg23 : memref<!tpu.dma_semaphore, #tpu.memory_space<semaphore_mem>>)
    %dma_start3A_344 = arith.constant 64 : i32
    %dma_start3A_345 = tpu.memref_slice %arg10[%dma_start3A_344] : memref<512xi32, #tpu.memory_space<vmem>> -> memref<64xi32, #tpu.memory_space<vmem>>
    %dma_start3A_346 = arith.constant 0 : i32
    %dma_start3A_347 = arith.constant 0 : i32
    %dma_start3A_348 = tpu.memref_slice %arg3[%dma_start3A_346, %dma_start3A_347] : memref<8192x128xf32, #tpu.memory_space<hbm>> -> memref<8192x128xf32, #tpu.memory_space<hbm>>
    tpu.enqueue_indirect_dma source(%dma_start3A_348 : memref<8192x128xf32, #tpu.memory_space<hbm>>) target(%arg17 : memref<64x128xf32, #tpu.memory_space<vmem>>) offsets(%dma_start3A_345 : memref<64xi32, #tpu.memory_space<vmem>>) semaphore(%arg27 : memref<!tpu.dma_semaphore, #tpu.memory_space<semaphore_mem>>)
    %dma_start3A_349 = arith.constant 128 : i32
    %dma_start3A_350 = tpu.memref_slice %arg9[%dma_start3A_349] : memref<512xi32, #tpu.memory_space<vmem>> -> memref<64xi32, #tpu.memory_space<vmem>>
    %dma_start3A_351 = arith.constant 0 : i32
    %dma_start3A_352 = arith.constant 0 : i32
    %dma_start3A_353 = tpu.memref_slice %arg2[%dma_start3A_351, %dma_start3A_352] : memref<8192x128xf32, #tpu.memory_space<hbm>> -> memref<8192x128xf32, #tpu.memory_space<hbm>>
    tpu.enqueue_indirect_dma source(%dma_start3A_353 : memref<8192x128xf32, #tpu.memory_space<hbm>>) target(%arg14 : memref<64x128xf32, #tpu.memory_space<vmem>>) offsets(%dma_start3A_350 : memref<64xi32, #tpu.memory_space<vmem>>) semaphore(%arg24 : memref<!tpu.dma_semaphore, #tpu.memory_space<semaphore_mem>>)
    %dma_start3A_354 = arith.constant 128 : i32
    %dma_start3A_355 = tpu.memref_slice %arg10[%dma_start3A_354] : memref<512xi32, #tpu.memory_space<vmem>> -> memref<64xi32, #tpu.memory_space<vmem>>
    %dma_start3A_356 = arith.constant 0 : i32
    %dma_start3A_357 = arith.constant 0 : i32
    %dma_start3A_358 = tpu.memref_slice %arg3[%dma_start3A_356, %dma_start3A_357] : memref<8192x128xf32, #tpu.memory_space<hbm>> -> memref<8192x128xf32, #tpu.memory_space<hbm>>
    tpu.enqueue_indirect_dma source(%dma_start3A_358 : memref<8192x128xf32, #tpu.memory_space<hbm>>) target(%arg18 : memref<64x128xf32, #tpu.memory_space<vmem>>) offsets(%dma_start3A_355 : memref<64xi32, #tpu.memory_space<vmem>>) semaphore(%arg28 : memref<!tpu.dma_semaphore, #tpu.memory_space<semaphore_mem>>)
    %dma_start3A_359 = arith.constant 192 : i32
    %dma_start3A_360 = tpu.memref_slice %arg9[%dma_start3A_359] : memref<512xi32, #tpu.memory_space<vmem>> -> memref<64xi32, #tpu.memory_space<vmem>>
    %dma_start3A_361 = arith.constant 0 : i32
    %dma_start3A_362 = arith.constant 0 : i32
    %dma_start3A_363 = tpu.memref_slice %arg2[%dma_start3A_361, %dma_start3A_362] : memref<8192x128xf32, #tpu.memory_space<hbm>> -> memref<8192x128xf32, #tpu.memory_space<hbm>>
    tpu.enqueue_indirect_dma source(%dma_start3A_363 : memref<8192x128xf32, #tpu.memory_space<hbm>>) target(%arg15 : memref<64x128xf32, #tpu.memory_space<vmem>>) offsets(%dma_start3A_360 : memref<64xi32, #tpu.memory_space<vmem>>) semaphore(%arg25 : memref<!tpu.dma_semaphore, #tpu.memory_space<semaphore_mem>>)
    %dma_start3A_364 = arith.constant 192 : i32
    %dma_start3A_365 = tpu.memref_slice %arg10[%dma_start3A_364] : memref<512xi32, #tpu.memory_space<vmem>> -> memref<64xi32, #tpu.memory_space<vmem>>
    %dma_start3A_366 = arith.constant 0 : i32
    %dma_start3A_367 = arith.constant 0 : i32
    %dma_start3A_368 = tpu.memref_slice %arg3[%dma_start3A_366, %dma_start3A_367] : memref<8192x128xf32, #tpu.memory_space<hbm>> -> memref<8192x128xf32, #tpu.memory_space<hbm>>
    tpu.enqueue_indirect_dma source(%dma_start3A_368 : memref<8192x128xf32, #tpu.memory_space<hbm>>) target(%arg19 : memref<64x128xf32, #tpu.memory_space<vmem>>) offsets(%dma_start3A_365 : memref<64xi32, #tpu.memory_space<vmem>>) semaphore(%arg29 : memref<!tpu.dma_semaphore, #tpu.memory_space<semaphore_mem>>)
    %dma_wait3A_369 = arith.constant 0 : i32
    %dma_wait3A_370 = tpu.memref_slice %arg9[%dma_wait3A_369] : memref<512xi32, #tpu.memory_space<vmem>> -> memref<64xi32, #tpu.memory_space<vmem>>
    %dma_wait3A_371 = arith.constant 0 : i32
    %dma_wait3A_372 = arith.constant 0 : i32
    %dma_wait3A_373 = tpu.memref_slice %arg2[%dma_wait3A_371, %dma_wait3A_372] : memref<8192x128xf32, #tpu.memory_space<hbm>> -> memref<8192x128xf32, #tpu.memory_space<hbm>>
    tpu.wait_indirect_dma semaphore(%arg22 : memref<!tpu.dma_semaphore, #tpu.memory_space<semaphore_mem>>) src(%dma_wait3A_373 : memref<8192x128xf32, #tpu.memory_space<hbm>>) dst(%arg12 : memref<64x128xf32, #tpu.memory_space<vmem>>)
    %dma_wait3A_374 = arith.constant 0 : i32
    %dma_wait3A_375 = tpu.memref_slice %arg10[%dma_wait3A_374] : memref<512xi32, #tpu.memory_space<vmem>> -> memref<64xi32, #tpu.memory_space<vmem>>
    %dma_wait3A_376 = arith.constant 0 : i32
    %dma_wait3A_377 = arith.constant 0 : i32
    %dma_wait3A_378 = tpu.memref_slice %arg3[%dma_wait3A_376, %dma_wait3A_377] : memref<8192x128xf32, #tpu.memory_space<hbm>> -> memref<8192x128xf32, #tpu.memory_space<hbm>>
    tpu.wait_indirect_dma semaphore(%arg26 : memref<!tpu.dma_semaphore, #tpu.memory_space<semaphore_mem>>) src(%dma_wait3A_378 : memref<8192x128xf32, #tpu.memory_space<hbm>>) dst(%arg16 : memref<64x128xf32, #tpu.memory_space<vmem>>)
    %broadcast_in_dim3A_379 = arith.constant 0 : i32
    %broadcast_in_dim3A_380 = vector.broadcast %broadcast_in_dim3A_379 : i32 to vector<16xi32>
    %add3A_381 = arith.addi %broadcast_in_dim3A_380, %iota3A : vector<16xi32>
    %get3A_382 = arith.constant 0 : index
    %get3A_383 = tpu.vector_load %arg7[%get3A_382] {strides = array<i32>} : memref<512xi32, #tpu.memory_space<vmem>>, vector<16xi32>,
    %and3A = arith.andi %get3A_383, %broadcast_in_dim3A_11 : vector<16xi32>
    %get3A_384 = arith.constant 0 : index
    %get3A_385 = tpu.vector_load %arg8[%get3A_384] {strides = array<i32>} : memref<512xi32, #tpu.memory_space<vmem>>, vector<16xi32>,
    %and3A_386 = arith.andi %get3A_385, %broadcast_in_dim3A_11 : vector<16xi32>
    %gather3A = tpu.vector_load_idx %arg12[%add3A_381, %and3A] : memref<64x128xf32, #tpu.memory_space<vmem>>[vector<16xi32>, vector<16xi32>], vector<16xf32>,
    %gather3A_387 = tpu.vector_load_idx %arg16[%add3A_381, %and3A_386] : memref<64x128xf32, #tpu.memory_space<vmem>>[vector<16xi32>, vector<16xi32>], vector<16xf32>,
    %add3A_388 = arith.addf %gather3A, %gather3A_387 : vector<16xf32>
    %swap3A_389 = arith.constant 0 : index
    %swap3A_390 = tpu.vector_load %arg11[%swap3A_389] {strides = array<i32>} : memref<512xf32, #tpu.memory_space<vmem>>, vector<16xf32>,
    tpu.vector_store %arg11[%swap3A_389], %add3A_388 {strides = array<i32>} : memref<512xf32, #tpu.memory_space<vmem>>, vector<16xf32>,
    %broadcast_in_dim3A_391 = arith.constant 16 : i32
    %broadcast_in_dim3A_392 = vector.broadcast %broadcast_in_dim3A_391 : i32 to vector<16xi32>
    %add3A_393 = arith.addi %broadcast_in_dim3A_392, %iota3A : vector<16xi32>
    %get3A_394 = arith.constant 16 : index
    %get3A_395 = tpu.vector_load %arg7[%get3A_394] {strides = array<i32>} : memref<512xi32, #tpu.memory_space<vmem>>, vector<16xi32>,
    %and3A_396 = arith.andi %get3A_395, %broadcast_in_dim3A_11 : vector<16xi32>
    %get3A_397 = arith.constant 16 : index
    %get3A_398 = tpu.vector_load %arg8[%get3A_397] {strides = array<i32>} : memref<512xi32, #tpu.memory_space<vmem>>, vector<16xi32>,
    %and3A_399 = arith.andi %get3A_398, %broadcast_in_dim3A_11 : vector<16xi32>
    %gather3A_400 = tpu.vector_load_idx %arg12[%add3A_393, %and3A_396] : memref<64x128xf32, #tpu.memory_space<vmem>>[vector<16xi32>, vector<16xi32>], vector<16xf32>,
    %gather3A_401 = tpu.vector_load_idx %arg16[%add3A_393, %and3A_399] : memref<64x128xf32, #tpu.memory_space<vmem>>[vector<16xi32>, vector<16xi32>], vector<16xf32>,
    %add3A_402 = arith.addf %gather3A_400, %gather3A_401 : vector<16xf32>
    %swap3A_403 = arith.constant 16 : index
    %swap3A_404 = tpu.vector_load %arg11[%swap3A_403] {strides = array<i32>} : memref<512xf32, #tpu.memory_space<vmem>>, vector<16xf32>,
    tpu.vector_store %arg11[%swap3A_403], %add3A_402 {strides = array<i32>} : memref<512xf32, #tpu.memory_space<vmem>>, vector<16xf32>,
    %broadcast_in_dim3A_405 = arith.constant 32 : i32
    %broadcast_in_dim3A_406 = vector.broadcast %broadcast_in_dim3A_405 : i32 to vector<16xi32>
    %add3A_407 = arith.addi %broadcast_in_dim3A_406, %iota3A : vector<16xi32>
    %get3A_408 = arith.constant 32 : index
    %get3A_409 = tpu.vector_load %arg7[%get3A_408] {strides = array<i32>} : memref<512xi32, #tpu.memory_space<vmem>>, vector<16xi32>,
    %and3A_410 = arith.andi %get3A_409, %broadcast_in_dim3A_11 : vector<16xi32>
    %get3A_411 = arith.constant 32 : index
    %get3A_412 = tpu.vector_load %arg8[%get3A_411] {strides = array<i32>} : memref<512xi32, #tpu.memory_space<vmem>>, vector<16xi32>,
    %and3A_413 = arith.andi %get3A_412, %broadcast_in_dim3A_11 : vector<16xi32>
    %gather3A_414 = tpu.vector_load_idx %arg12[%add3A_407, %and3A_410] : memref<64x128xf32, #tpu.memory_space<vmem>>[vector<16xi32>, vector<16xi32>], vector<16xf32>,
    %gather3A_415 = tpu.vector_load_idx %arg16[%add3A_407, %and3A_413] : memref<64x128xf32, #tpu.memory_space<vmem>>[vector<16xi32>, vector<16xi32>], vector<16xf32>,
    %add3A_416 = arith.addf %gather3A_414, %gather3A_415 : vector<16xf32>
    %swap3A_417 = arith.constant 32 : index
    %swap3A_418 = tpu.vector_load %arg11[%swap3A_417] {strides = array<i32>} : memref<512xf32, #tpu.memory_space<vmem>>, vector<16xf32>,
    tpu.vector_store %arg11[%swap3A_417], %add3A_416 {strides = array<i32>} : memref<512xf32, #tpu.memory_space<vmem>>, vector<16xf32>,
    %broadcast_in_dim3A_419 = arith.constant 48 : i32
    %broadcast_in_dim3A_420 = vector.broadcast %broadcast_in_dim3A_419 : i32 to vector<16xi32>
    %add3A_421 = arith.addi %broadcast_in_dim3A_420, %iota3A : vector<16xi32>
    %get3A_422 = arith.constant 48 : index
    %get3A_423 = tpu.vector_load %arg7[%get3A_422] {strides = array<i32>} : memref<512xi32, #tpu.memory_space<vmem>>, vector<16xi32>,
    %and3A_424 = arith.andi %get3A_423, %broadcast_in_dim3A_11 : vector<16xi32>
    %get3A_425 = arith.constant 48 : index
    %get3A_426 = tpu.vector_load %arg8[%get3A_425] {strides = array<i32>} : memref<512xi32, #tpu.memory_space<vmem>>, vector<16xi32>,
    %and3A_427 = arith.andi %get3A_426, %broadcast_in_dim3A_11 : vector<16xi32>
    %gather3A_428 = tpu.vector_load_idx %arg12[%add3A_421, %and3A_424] : memref<64x128xf32, #tpu.memory_space<vmem>>[vector<16xi32>, vector<16xi32>], vector<16xf32>,
    %gather3A_429 = tpu.vector_load_idx %arg16[%add3A_421, %and3A_427] : memref<64x128xf32, #tpu.memory_space<vmem>>[vector<16xi32>, vector<16xi32>], vector<16xf32>,
    %add3A_430 = arith.addf %gather3A_428, %gather3A_429 : vector<16xf32>
    %swap3A_431 = arith.constant 48 : index
    %swap3A_432 = tpu.vector_load %arg11[%swap3A_431] {strides = array<i32>} : memref<512xf32, #tpu.memory_space<vmem>>, vector<16xf32>,
    tpu.vector_store %arg11[%swap3A_431], %add3A_430 {strides = array<i32>} : memref<512xf32, #tpu.memory_space<vmem>>, vector<16xf32>,
    %dma_start3A_433 = arith.constant 256 : i32
    %dma_start3A_434 = tpu.memref_slice %arg9[%dma_start3A_433] : memref<512xi32, #tpu.memory_space<vmem>> -> memref<64xi32, #tpu.memory_space<vmem>>
    %dma_start3A_435 = arith.constant 0 : i32
    %dma_start3A_436 = arith.constant 0 : i32
    %dma_start3A_437 = tpu.memref_slice %arg2[%dma_start3A_435, %dma_start3A_436] : memref<8192x128xf32, #tpu.memory_space<hbm>> -> memref<8192x128xf32, #tpu.memory_space<hbm>>
    tpu.enqueue_indirect_dma source(%dma_start3A_437 : memref<8192x128xf32, #tpu.memory_space<hbm>>) target(%arg12 : memref<64x128xf32, #tpu.memory_space<vmem>>) offsets(%dma_start3A_434 : memref<64xi32, #tpu.memory_space<vmem>>) semaphore(%arg22 : memref<!tpu.dma_semaphore, #tpu.memory_space<semaphore_mem>>)
    %dma_start3A_438 = arith.constant 256 : i32
    %dma_start3A_439 = tpu.memref_slice %arg10[%dma_start3A_438] : memref<512xi32, #tpu.memory_space<vmem>> -> memref<64xi32, #tpu.memory_space<vmem>>
    %dma_start3A_440 = arith.constant 0 : i32
    %dma_start3A_441 = arith.constant 0 : i32
    %dma_start3A_442 = tpu.memref_slice %arg3[%dma_start3A_440, %dma_start3A_441] : memref<8192x128xf32, #tpu.memory_space<hbm>> -> memref<8192x128xf32, #tpu.memory_space<hbm>>
    tpu.enqueue_indirect_dma source(%dma_start3A_442 : memref<8192x128xf32, #tpu.memory_space<hbm>>) target(%arg16 : memref<64x128xf32, #tpu.memory_space<vmem>>) offsets(%dma_start3A_439 : memref<64xi32, #tpu.memory_space<vmem>>) semaphore(%arg26 : memref<!tpu.dma_semaphore, #tpu.memory_space<semaphore_mem>>)
    %dma_wait3A_443 = arith.constant 64 : i32
    %dma_wait3A_444 = tpu.memref_slice %arg9[%dma_wait3A_443] : memref<512xi32, #tpu.memory_space<vmem>> -> memref<64xi32, #tpu.memory_space<vmem>>
    %dma_wait3A_445 = arith.constant 0 : i32
    %dma_wait3A_446 = arith.constant 0 : i32
    %dma_wait3A_447 = tpu.memref_slice %arg2[%dma_wait3A_445, %dma_wait3A_446] : memref<8192x128xf32, #tpu.memory_space<hbm>> -> memref<8192x128xf32, #tpu.memory_space<hbm>>
    tpu.wait_indirect_dma semaphore(%arg23 : memref<!tpu.dma_semaphore, #tpu.memory_space<semaphore_mem>>) src(%dma_wait3A_447 : memref<8192x128xf32, #tpu.memory_space<hbm>>) dst(%arg13 : memref<64x128xf32, #tpu.memory_space<vmem>>)
    %dma_wait3A_448 = arith.constant 64 : i32
    %dma_wait3A_449 = tpu.memref_slice %arg10[%dma_wait3A_448] : memref<512xi32, #tpu.memory_space<vmem>> -> memref<64xi32, #tpu.memory_space<vmem>>
    %dma_wait3A_450 = arith.constant 0 : i32
    %dma_wait3A_451 = arith.constant 0 : i32
    %dma_wait3A_452 = tpu.memref_slice %arg3[%dma_wait3A_450, %dma_wait3A_451] : memref<8192x128xf32, #tpu.memory_space<hbm>> -> memref<8192x128xf32, #tpu.memory_space<hbm>>
    tpu.wait_indirect_dma semaphore(%arg27 : memref<!tpu.dma_semaphore, #tpu.memory_space<semaphore_mem>>) src(%dma_wait3A_452 : memref<8192x128xf32, #tpu.memory_space<hbm>>) dst(%arg17 : memref<64x128xf32, #tpu.memory_space<vmem>>)
    %broadcast_in_dim3A_453 = arith.constant 0 : i32
    %broadcast_in_dim3A_454 = vector.broadcast %broadcast_in_dim3A_453 : i32 to vector<16xi32>
    %add3A_455 = arith.addi %broadcast_in_dim3A_454, %iota3A : vector<16xi32>
    %get3A_456 = arith.constant 64 : index
    %get3A_457 = tpu.vector_load %arg7[%get3A_456] {strides = array<i32>} : memref<512xi32, #tpu.memory_space<vmem>>, vector<16xi32>,
    %and3A_458 = arith.andi %get3A_457, %broadcast_in_dim3A_11 : vector<16xi32>
    %get3A_459 = arith.constant 64 : index
    %get3A_460 = tpu.vector_load %arg8[%get3A_459] {strides = array<i32>} : memref<512xi32, #tpu.memory_space<vmem>>, vector<16xi32>,
    %and3A_461 = arith.andi %get3A_460, %broadcast_in_dim3A_11 : vector<16xi32>
    %gather3A_462 = tpu.vector_load_idx %arg13[%add3A_455, %and3A_458] : memref<64x128xf32, #tpu.memory_space<vmem>>[vector<16xi32>, vector<16xi32>], vector<16xf32>,
    %gather3A_463 = tpu.vector_load_idx %arg17[%add3A_455, %and3A_461] : memref<64x128xf32, #tpu.memory_space<vmem>>[vector<16xi32>, vector<16xi32>], vector<16xf32>,
    %add3A_464 = arith.addf %gather3A_462, %gather3A_463 : vector<16xf32>
    %swap3A_465 = arith.constant 64 : index
    %swap3A_466 = tpu.vector_load %arg11[%swap3A_465] {strides = array<i32>} : memref<512xf32, #tpu.memory_space<vmem>>, vector<16xf32>,
    tpu.vector_store %arg11[%swap3A_465], %add3A_464 {strides = array<i32>} : memref<512xf32, #tpu.memory_space<vmem>>, vector<16xf32>,
    %broadcast_in_dim3A_467 = arith.constant 16 : i32
    %broadcast_in_dim3A_468 = vector.broadcast %broadcast_in_dim3A_467 : i32 to vector<16xi32>
    %add3A_469 = arith.addi %broadcast_in_dim3A_468, %iota3A : vector<16xi32>
    %get3A_470 = arith.constant 80 : index
    %get3A_471 = tpu.vector_load %arg7[%get3A_470] {strides = array<i32>} : memref<512xi32, #tpu.memory_space<vmem>>, vector<16xi32>,
    %and3A_472 = arith.andi %get3A_471, %broadcast_in_dim3A_11 : vector<16xi32>
    %get3A_473 = arith.constant 80 : index
    %get3A_474 = tpu.vector_load %arg8[%get3A_473] {strides = array<i32>} : memref<512xi32, #tpu.memory_space<vmem>>, vector<16xi32>,
    %and3A_475 = arith.andi %get3A_474, %broadcast_in_dim3A_11 : vector<16xi32>
    %gather3A_476 = tpu.vector_load_idx %arg13[%add3A_469, %and3A_472] : memref<64x128xf32, #tpu.memory_space<vmem>>[vector<16xi32>, vector<16xi32>], vector<16xf32>,
    %gather3A_477 = tpu.vector_load_idx %arg17[%add3A_469, %and3A_475] : memref<64x128xf32, #tpu.memory_space<vmem>>[vector<16xi32>, vector<16xi32>], vector<16xf32>,
    %add3A_478 = arith.addf %gather3A_476, %gather3A_477 : vector<16xf32>
    %swap3A_479 = arith.constant 80 : index
    %swap3A_480 = tpu.vector_load %arg11[%swap3A_479] {strides = array<i32>} : memref<512xf32, #tpu.memory_space<vmem>>, vector<16xf32>,
    tpu.vector_store %arg11[%swap3A_479], %add3A_478 {strides = array<i32>} : memref<512xf32, #tpu.memory_space<vmem>>, vector<16xf32>,
    %broadcast_in_dim3A_481 = arith.constant 32 : i32
    %broadcast_in_dim3A_482 = vector.broadcast %broadcast_in_dim3A_481 : i32 to vector<16xi32>
    %add3A_483 = arith.addi %broadcast_in_dim3A_482, %iota3A : vector<16xi32>
    %get3A_484 = arith.constant 96 : index
    %get3A_485 = tpu.vector_load %arg7[%get3A_484] {strides = array<i32>} : memref<512xi32, #tpu.memory_space<vmem>>, vector<16xi32>,
    %and3A_486 = arith.andi %get3A_485, %broadcast_in_dim3A_11 : vector<16xi32>
    %get3A_487 = arith.constant 96 : index
    %get3A_488 = tpu.vector_load %arg8[%get3A_487] {strides = array<i32>} : memref<512xi32, #tpu.memory_space<vmem>>, vector<16xi32>,
    %and3A_489 = arith.andi %get3A_488, %broadcast_in_dim3A_11 : vector<16xi32>
    %gather3A_490 = tpu.vector_load_idx %arg13[%add3A_483, %and3A_486] : memref<64x128xf32, #tpu.memory_space<vmem>>[vector<16xi32>, vector<16xi32>], vector<16xf32>,
    %gather3A_491 = tpu.vector_load_idx %arg17[%add3A_483, %and3A_489] : memref<64x128xf32, #tpu.memory_space<vmem>>[vector<16xi32>, vector<16xi32>], vector<16xf32>,
    %add3A_492 = arith.addf %gather3A_490, %gather3A_491 : vector<16xf32>
    %swap3A_493 = arith.constant 96 : index
    %swap3A_494 = tpu.vector_load %arg11[%swap3A_493] {strides = array<i32>} : memref<512xf32, #tpu.memory_space<vmem>>, vector<16xf32>,
    tpu.vector_store %arg11[%swap3A_493], %add3A_492 {strides = array<i32>} : memref<512xf32, #tpu.memory_space<vmem>>, vector<16xf32>,
    %broadcast_in_dim3A_495 = arith.constant 48 : i32
    %broadcast_in_dim3A_496 = vector.broadcast %broadcast_in_dim3A_495 : i32 to vector<16xi32>
    %add3A_497 = arith.addi %broadcast_in_dim3A_496, %iota3A : vector<16xi32>
    %get3A_498 = arith.constant 112 : index
    %get3A_499 = tpu.vector_load %arg7[%get3A_498] {strides = array<i32>} : memref<512xi32, #tpu.memory_space<vmem>>, vector<16xi32>,
    %and3A_500 = arith.andi %get3A_499, %broadcast_in_dim3A_11 : vector<16xi32>
    %get3A_501 = arith.constant 112 : index
    %get3A_502 = tpu.vector_load %arg8[%get3A_501] {strides = array<i32>} : memref<512xi32, #tpu.memory_space<vmem>>, vector<16xi32>,
    %and3A_503 = arith.andi %get3A_502, %broadcast_in_dim3A_11 : vector<16xi32>
    %gather3A_504 = tpu.vector_load_idx %arg13[%add3A_497, %and3A_500] : memref<64x128xf32, #tpu.memory_space<vmem>>[vector<16xi32>, vector<16xi32>], vector<16xf32>,
    %gather3A_505 = tpu.vector_load_idx %arg17[%add3A_497, %and3A_503] : memref<64x128xf32, #tpu.memory_space<vmem>>[vector<16xi32>, vector<16xi32>], vector<16xf32>,
    %add3A_506 = arith.addf %gather3A_504, %gather3A_505 : vector<16xf32>
    %swap3A_507 = arith.constant 112 : index
    %swap3A_508 = tpu.vector_load %arg11[%swap3A_507] {strides = array<i32>} : memref<512xf32, #tpu.memory_space<vmem>>, vector<16xf32>,
    tpu.vector_store %arg11[%swap3A_507], %add3A_506 {strides = array<i32>} : memref<512xf32, #tpu.memory_space<vmem>>, vector<16xf32>,
    %dma_start3A_509 = arith.constant 320 : i32
    %dma_start3A_510 = tpu.memref_slice %arg9[%dma_start3A_509] : memref<512xi32, #tpu.memory_space<vmem>> -> memref<64xi32, #tpu.memory_space<vmem>>
    %dma_start3A_511 = arith.constant 0 : i32
    %dma_start3A_512 = arith.constant 0 : i32
    %dma_start3A_513 = tpu.memref_slice %arg2[%dma_start3A_511, %dma_start3A_512] : memref<8192x128xf32, #tpu.memory_space<hbm>> -> memref<8192x128xf32, #tpu.memory_space<hbm>>
    tpu.enqueue_indirect_dma source(%dma_start3A_513 : memref<8192x128xf32, #tpu.memory_space<hbm>>) target(%arg13 : memref<64x128xf32, #tpu.memory_space<vmem>>) offsets(%dma_start3A_510 : memref<64xi32, #tpu.memory_space<vmem>>) semaphore(%arg23 : memref<!tpu.dma_semaphore, #tpu.memory_space<semaphore_mem>>)
    %dma_start3A_514 = arith.constant 320 : i32
    %dma_start3A_515 = tpu.memref_slice %arg10[%dma_start3A_514] : memref<512xi32, #tpu.memory_space<vmem>> -> memref<64xi32, #tpu.memory_space<vmem>>
    %dma_start3A_516 = arith.constant 0 : i32
    %dma_start3A_517 = arith.constant 0 : i32
    %dma_start3A_518 = tpu.memref_slice %arg3[%dma_start3A_516, %dma_start3A_517] : memref<8192x128xf32, #tpu.memory_space<hbm>> -> memref<8192x128xf32, #tpu.memory_space<hbm>>
    tpu.enqueue_indirect_dma source(%dma_start3A_518 : memref<8192x128xf32, #tpu.memory_space<hbm>>) target(%arg17 : memref<64x128xf32, #tpu.memory_space<vmem>>) offsets(%dma_start3A_515 : memref<64xi32, #tpu.memory_space<vmem>>) semaphore(%arg27 : memref<!tpu.dma_semaphore, #tpu.memory_space<semaphore_mem>>)
    %dma_wait3A_519 = arith.constant 128 : i32
    %dma_wait3A_520 = tpu.memref_slice %arg9[%dma_wait3A_519] : memref<512xi32, #tpu.memory_space<vmem>> -> memref<64xi32, #tpu.memory_space<vmem>>
    %dma_wait3A_521 = arith.constant 0 : i32
    %dma_wait3A_522 = arith.constant 0 : i32
    %dma_wait3A_523 = tpu.memref_slice %arg2[%dma_wait3A_521, %dma_wait3A_522] : memref<8192x128xf32, #tpu.memory_space<hbm>> -> memref<8192x128xf32, #tpu.memory_space<hbm>>
    tpu.wait_indirect_dma semaphore(%arg24 : memref<!tpu.dma_semaphore, #tpu.memory_space<semaphore_mem>>) src(%dma_wait3A_523 : memref<8192x128xf32, #tpu.memory_space<hbm>>) dst(%arg14 : memref<64x128xf32, #tpu.memory_space<vmem>>)
    %dma_wait3A_524 = arith.constant 128 : i32
    %dma_wait3A_525 = tpu.memref_slice %arg10[%dma_wait3A_524] : memref<512xi32, #tpu.memory_space<vmem>> -> memref<64xi32, #tpu.memory_space<vmem>>
    %dma_wait3A_526 = arith.constant 0 : i32
    %dma_wait3A_527 = arith.constant 0 : i32
    %dma_wait3A_528 = tpu.memref_slice %arg3[%dma_wait3A_526, %dma_wait3A_527] : memref<8192x128xf32, #tpu.memory_space<hbm>> -> memref<8192x128xf32, #tpu.memory_space<hbm>>
    tpu.wait_indirect_dma semaphore(%arg28 : memref<!tpu.dma_semaphore, #tpu.memory_space<semaphore_mem>>) src(%dma_wait3A_528 : memref<8192x128xf32, #tpu.memory_space<hbm>>) dst(%arg18 : memref<64x128xf32, #tpu.memory_space<vmem>>)
    %broadcast_in_dim3A_529 = arith.constant 0 : i32
    %broadcast_in_dim3A_530 = vector.broadcast %broadcast_in_dim3A_529 : i32 to vector<16xi32>
    %add3A_531 = arith.addi %broadcast_in_dim3A_530, %iota3A : vector<16xi32>
    %get3A_532 = arith.constant 128 : index
    %get3A_533 = tpu.vector_load %arg7[%get3A_532] {strides = array<i32>} : memref<512xi32, #tpu.memory_space<vmem>>, vector<16xi32>,
    %and3A_534 = arith.andi %get3A_533, %broadcast_in_dim3A_11 : vector<16xi32>
    %get3A_535 = arith.constant 128 : index
    %get3A_536 = tpu.vector_load %arg8[%get3A_535] {strides = array<i32>} : memref<512xi32, #tpu.memory_space<vmem>>, vector<16xi32>,
    %and3A_537 = arith.andi %get3A_536, %broadcast_in_dim3A_11 : vector<16xi32>
    %gather3A_538 = tpu.vector_load_idx %arg14[%add3A_531, %and3A_534] : memref<64x128xf32, #tpu.memory_space<vmem>>[vector<16xi32>, vector<16xi32>], vector<16xf32>,
    %gather3A_539 = tpu.vector_load_idx %arg18[%add3A_531, %and3A_537] : memref<64x128xf32, #tpu.memory_space<vmem>>[vector<16xi32>, vector<16xi32>], vector<16xf32>,
    %add3A_540 = arith.addf %gather3A_538, %gather3A_539 : vector<16xf32>
    %swap3A_541 = arith.constant 128 : index
    %swap3A_542 = tpu.vector_load %arg11[%swap3A_541] {strides = array<i32>} : memref<512xf32, #tpu.memory_space<vmem>>, vector<16xf32>,
    tpu.vector_store %arg11[%swap3A_541], %add3A_540 {strides = array<i32>} : memref<512xf32, #tpu.memory_space<vmem>>, vector<16xf32>,
    %broadcast_in_dim3A_543 = arith.constant 16 : i32
    %broadcast_in_dim3A_544 = vector.broadcast %broadcast_in_dim3A_543 : i32 to vector<16xi32>
    %add3A_545 = arith.addi %broadcast_in_dim3A_544, %iota3A : vector<16xi32>
    %get3A_546 = arith.constant 144 : index
    %get3A_547 = tpu.vector_load %arg7[%get3A_546] {strides = array<i32>} : memref<512xi32, #tpu.memory_space<vmem>>, vector<16xi32>,
    %and3A_548 = arith.andi %get3A_547, %broadcast_in_dim3A_11 : vector<16xi32>
    %get3A_549 = arith.constant 144 : index
    %get3A_550 = tpu.vector_load %arg8[%get3A_549] {strides = array<i32>} : memref<512xi32, #tpu.memory_space<vmem>>, vector<16xi32>,
    %and3A_551 = arith.andi %get3A_550, %broadcast_in_dim3A_11 : vector<16xi32>
    %gather3A_552 = tpu.vector_load_idx %arg14[%add3A_545, %and3A_548] : memref<64x128xf32, #tpu.memory_space<vmem>>[vector<16xi32>, vector<16xi32>], vector<16xf32>,
    %gather3A_553 = tpu.vector_load_idx %arg18[%add3A_545, %and3A_551] : memref<64x128xf32, #tpu.memory_space<vmem>>[vector<16xi32>, vector<16xi32>], vector<16xf32>,
    %add3A_554 = arith.addf %gather3A_552, %gather3A_553 : vector<16xf32>
    %swap3A_555 = arith.constant 144 : index
    %swap3A_556 = tpu.vector_load %arg11[%swap3A_555] {strides = array<i32>} : memref<512xf32, #tpu.memory_space<vmem>>, vector<16xf32>,
    tpu.vector_store %arg11[%swap3A_555], %add3A_554 {strides = array<i32>} : memref<512xf32, #tpu.memory_space<vmem>>, vector<16xf32>,
    %broadcast_in_dim3A_557 = arith.constant 32 : i32
    %broadcast_in_dim3A_558 = vector.broadcast %broadcast_in_dim3A_557 : i32 to vector<16xi32>
    %add3A_559 = arith.addi %broadcast_in_dim3A_558, %iota3A : vector<16xi32>
    %get3A_560 = arith.constant 160 : index
    %get3A_561 = tpu.vector_load %arg7[%get3A_560] {strides = array<i32>} : memref<512xi32, #tpu.memory_space<vmem>>, vector<16xi32>,
    %and3A_562 = arith.andi %get3A_561, %broadcast_in_dim3A_11 : vector<16xi32>
    %get3A_563 = arith.constant 160 : index
    %get3A_564 = tpu.vector_load %arg8[%get3A_563] {strides = array<i32>} : memref<512xi32, #tpu.memory_space<vmem>>, vector<16xi32>,
    %and3A_565 = arith.andi %get3A_564, %broadcast_in_dim3A_11 : vector<16xi32>
    %gather3A_566 = tpu.vector_load_idx %arg14[%add3A_559, %and3A_562] : memref<64x128xf32, #tpu.memory_space<vmem>>[vector<16xi32>, vector<16xi32>], vector<16xf32>,
    %gather3A_567 = tpu.vector_load_idx %arg18[%add3A_559, %and3A_565] : memref<64x128xf32, #tpu.memory_space<vmem>>[vector<16xi32>, vector<16xi32>], vector<16xf32>,
    %add3A_568 = arith.addf %gather3A_566, %gather3A_567 : vector<16xf32>
    %swap3A_569 = arith.constant 160 : index
    %swap3A_570 = tpu.vector_load %arg11[%swap3A_569] {strides = array<i32>} : memref<512xf32, #tpu.memory_space<vmem>>, vector<16xf32>,
    tpu.vector_store %arg11[%swap3A_569], %add3A_568 {strides = array<i32>} : memref<512xf32, #tpu.memory_space<vmem>>, vector<16xf32>,
    %broadcast_in_dim3A_571 = arith.constant 48 : i32
    %broadcast_in_dim3A_572 = vector.broadcast %broadcast_in_dim3A_571 : i32 to vector<16xi32>
    %add3A_573 = arith.addi %broadcast_in_dim3A_572, %iota3A : vector<16xi32>
    %get3A_574 = arith.constant 176 : index
    %get3A_575 = tpu.vector_load %arg7[%get3A_574] {strides = array<i32>} : memref<512xi32, #tpu.memory_space<vmem>>, vector<16xi32>,
    %and3A_576 = arith.andi %get3A_575, %broadcast_in_dim3A_11 : vector<16xi32>
    %get3A_577 = arith.constant 176 : index
    %get3A_578 = tpu.vector_load %arg8[%get3A_577] {strides = array<i32>} : memref<512xi32, #tpu.memory_space<vmem>>, vector<16xi32>,
    %and3A_579 = arith.andi %get3A_578, %broadcast_in_dim3A_11 : vector<16xi32>
    %gather3A_580 = tpu.vector_load_idx %arg14[%add3A_573, %and3A_576] : memref<64x128xf32, #tpu.memory_space<vmem>>[vector<16xi32>, vector<16xi32>], vector<16xf32>,
    %gather3A_581 = tpu.vector_load_idx %arg18[%add3A_573, %and3A_579] : memref<64x128xf32, #tpu.memory_space<vmem>>[vector<16xi32>, vector<16xi32>], vector<16xf32>,
    %add3A_582 = arith.addf %gather3A_580, %gather3A_581 : vector<16xf32>
    %swap3A_583 = arith.constant 176 : index
    %swap3A_584 = tpu.vector_load %arg11[%swap3A_583] {strides = array<i32>} : memref<512xf32, #tpu.memory_space<vmem>>, vector<16xf32>,
    tpu.vector_store %arg11[%swap3A_583], %add3A_582 {strides = array<i32>} : memref<512xf32, #tpu.memory_space<vmem>>, vector<16xf32>,
    %dma_start3A_585 = arith.constant 384 : i32
    %dma_start3A_586 = tpu.memref_slice %arg9[%dma_start3A_585] : memref<512xi32, #tpu.memory_space<vmem>> -> memref<64xi32, #tpu.memory_space<vmem>>
    %dma_start3A_587 = arith.constant 0 : i32
    %dma_start3A_588 = arith.constant 0 : i32
    %dma_start3A_589 = tpu.memref_slice %arg2[%dma_start3A_587, %dma_start3A_588] : memref<8192x128xf32, #tpu.memory_space<hbm>> -> memref<8192x128xf32, #tpu.memory_space<hbm>>
    tpu.enqueue_indirect_dma source(%dma_start3A_589 : memref<8192x128xf32, #tpu.memory_space<hbm>>) target(%arg14 : memref<64x128xf32, #tpu.memory_space<vmem>>) offsets(%dma_start3A_586 : memref<64xi32, #tpu.memory_space<vmem>>) semaphore(%arg24 : memref<!tpu.dma_semaphore, #tpu.memory_space<semaphore_mem>>)
    %dma_start3A_590 = arith.constant 384 : i32
    %dma_start3A_591 = tpu.memref_slice %arg10[%dma_start3A_590] : memref<512xi32, #tpu.memory_space<vmem>> -> memref<64xi32, #tpu.memory_space<vmem>>
    %dma_start3A_592 = arith.constant 0 : i32
    %dma_start3A_593 = arith.constant 0 : i32
    %dma_start3A_594 = tpu.memref_slice %arg3[%dma_start3A_592, %dma_start3A_593] : memref<8192x128xf32, #tpu.memory_space<hbm>> -> memref<8192x128xf32, #tpu.memory_space<hbm>>
    tpu.enqueue_indirect_dma source(%dma_start3A_594 : memref<8192x128xf32, #tpu.memory_space<hbm>>) target(%arg18 : memref<64x128xf32, #tpu.memory_space<vmem>>) offsets(%dma_start3A_591 : memref<64xi32, #tpu.memory_space<vmem>>) semaphore(%arg28 : memref<!tpu.dma_semaphore, #tpu.memory_space<semaphore_mem>>)
    %dma_wait3A_595 = arith.constant 192 : i32
    %dma_wait3A_596 = tpu.memref_slice %arg9[%dma_wait3A_595] : memref<512xi32, #tpu.memory_space<vmem>> -> memref<64xi32, #tpu.memory_space<vmem>>
    %dma_wait3A_597 = arith.constant 0 : i32
    %dma_wait3A_598 = arith.constant 0 : i32
    %dma_wait3A_599 = tpu.memref_slice %arg2[%dma_wait3A_597, %dma_wait3A_598] : memref<8192x128xf32, #tpu.memory_space<hbm>> -> memref<8192x128xf32, #tpu.memory_space<hbm>>
    tpu.wait_indirect_dma semaphore(%arg25 : memref<!tpu.dma_semaphore, #tpu.memory_space<semaphore_mem>>) src(%dma_wait3A_599 : memref<8192x128xf32, #tpu.memory_space<hbm>>) dst(%arg15 : memref<64x128xf32, #tpu.memory_space<vmem>>)
    %dma_wait3A_600 = arith.constant 192 : i32
    %dma_wait3A_601 = tpu.memref_slice %arg10[%dma_wait3A_600] : memref<512xi32, #tpu.memory_space<vmem>> -> memref<64xi32, #tpu.memory_space<vmem>>
    %dma_wait3A_602 = arith.constant 0 : i32
    %dma_wait3A_603 = arith.constant 0 : i32
    %dma_wait3A_604 = tpu.memref_slice %arg3[%dma_wait3A_602, %dma_wait3A_603] : memref<8192x128xf32, #tpu.memory_space<hbm>> -> memref<8192x128xf32, #tpu.memory_space<hbm>>
    tpu.wait_indirect_dma semaphore(%arg29 : memref<!tpu.dma_semaphore, #tpu.memory_space<semaphore_mem>>) src(%dma_wait3A_604 : memref<8192x128xf32, #tpu.memory_space<hbm>>) dst(%arg19 : memref<64x128xf32, #tpu.memory_space<vmem>>)
    %broadcast_in_dim3A_605 = arith.constant 0 : i32
    %broadcast_in_dim3A_606 = vector.broadcast %broadcast_in_dim3A_605 : i32 to vector<16xi32>
    %add3A_607 = arith.addi %broadcast_in_dim3A_606, %iota3A : vector<16xi32>
    %get3A_608 = arith.constant 192 : index
    %get3A_609 = tpu.vector_load %arg7[%get3A_608] {strides = array<i32>} : memref<512xi32, #tpu.memory_space<vmem>>, vector<16xi32>,
    %and3A_610 = arith.andi %get3A_609, %broadcast_in_dim3A_11 : vector<16xi32>
    %get3A_611 = arith.constant 192 : index
    %get3A_612 = tpu.vector_load %arg8[%get3A_611] {strides = array<i32>} : memref<512xi32, #tpu.memory_space<vmem>>, vector<16xi32>,
    %and3A_613 = arith.andi %get3A_612, %broadcast_in_dim3A_11 : vector<16xi32>
    %gather3A_614 = tpu.vector_load_idx %arg15[%add3A_607, %and3A_610] : memref<64x128xf32, #tpu.memory_space<vmem>>[vector<16xi32>, vector<16xi32>], vector<16xf32>,
    %gather3A_615 = tpu.vector_load_idx %arg19[%add3A_607, %and3A_613] : memref<64x128xf32, #tpu.memory_space<vmem>>[vector<16xi32>, vector<16xi32>], vector<16xf32>,
    %add3A_616 = arith.addf %gather3A_614, %gather3A_615 : vector<16xf32>
    %swap3A_617 = arith.constant 192 : index
    %swap3A_618 = tpu.vector_load %arg11[%swap3A_617] {strides = array<i32>} : memref<512xf32, #tpu.memory_space<vmem>>, vector<16xf32>,
    tpu.vector_store %arg11[%swap3A_617], %add3A_616 {strides = array<i32>} : memref<512xf32, #tpu.memory_space<vmem>>, vector<16xf32>,
    %broadcast_in_dim3A_619 = arith.constant 16 : i32
    %broadcast_in_dim3A_620 = vector.broadcast %broadcast_in_dim3A_619 : i32 to vector<16xi32>
    %add3A_621 = arith.addi %broadcast_in_dim3A_620, %iota3A : vector<16xi32>
    %get3A_622 = arith.constant 208 : index
    %get3A_623 = tpu.vector_load %arg7[%get3A_622] {strides = array<i32>} : memref<512xi32, #tpu.memory_space<vmem>>, vector<16xi32>,
    %and3A_624 = arith.andi %get3A_623, %broadcast_in_dim3A_11 : vector<16xi32>
    %get3A_625 = arith.constant 208 : index
    %get3A_626 = tpu.vector_load %arg8[%get3A_625] {strides = array<i32>} : memref<512xi32, #tpu.memory_space<vmem>>, vector<16xi32>,
    %and3A_627 = arith.andi %get3A_626, %broadcast_in_dim3A_11 : vector<16xi32>
    %gather3A_628 = tpu.vector_load_idx %arg15[%add3A_621, %and3A_624] : memref<64x128xf32, #tpu.memory_space<vmem>>[vector<16xi32>, vector<16xi32>], vector<16xf32>,
    %gather3A_629 = tpu.vector_load_idx %arg19[%add3A_621, %and3A_627] : memref<64x128xf32, #tpu.memory_space<vmem>>[vector<16xi32>, vector<16xi32>], vector<16xf32>,
    %add3A_630 = arith.addf %gather3A_628, %gather3A_629 : vector<16xf32>
    %swap3A_631 = arith.constant 208 : index
    %swap3A_632 = tpu.vector_load %arg11[%swap3A_631] {strides = array<i32>} : memref<512xf32, #tpu.memory_space<vmem>>, vector<16xf32>,
    tpu.vector_store %arg11[%swap3A_631], %add3A_630 {strides = array<i32>} : memref<512xf32, #tpu.memory_space<vmem>>, vector<16xf32>,
    %broadcast_in_dim3A_633 = arith.constant 32 : i32
    %broadcast_in_dim3A_634 = vector.broadcast %broadcast_in_dim3A_633 : i32 to vector<16xi32>
    %add3A_635 = arith.addi %broadcast_in_dim3A_634, %iota3A : vector<16xi32>
    %get3A_636 = arith.constant 224 : index
    %get3A_637 = tpu.vector_load %arg7[%get3A_636] {strides = array<i32>} : memref<512xi32, #tpu.memory_space<vmem>>, vector<16xi32>,
    %and3A_638 = arith.andi %get3A_637, %broadcast_in_dim3A_11 : vector<16xi32>
    %get3A_639 = arith.constant 224 : index
    %get3A_640 = tpu.vector_load %arg8[%get3A_639] {strides = array<i32>} : memref<512xi32, #tpu.memory_space<vmem>>, vector<16xi32>,
    %and3A_641 = arith.andi %get3A_640, %broadcast_in_dim3A_11 : vector<16xi32>
    %gather3A_642 = tpu.vector_load_idx %arg15[%add3A_635, %and3A_638] : memref<64x128xf32, #tpu.memory_space<vmem>>[vector<16xi32>, vector<16xi32>], vector<16xf32>,
    %gather3A_643 = tpu.vector_load_idx %arg19[%add3A_635, %and3A_641] : memref<64x128xf32, #tpu.memory_space<vmem>>[vector<16xi32>, vector<16xi32>], vector<16xf32>,
    %add3A_644 = arith.addf %gather3A_642, %gather3A_643 : vector<16xf32>
    %swap3A_645 = arith.constant 224 : index
    %swap3A_646 = tpu.vector_load %arg11[%swap3A_645] {strides = array<i32>} : memref<512xf32, #tpu.memory_space<vmem>>, vector<16xf32>,
    tpu.vector_store %arg11[%swap3A_645], %add3A_644 {strides = array<i32>} : memref<512xf32, #tpu.memory_space<vmem>>, vector<16xf32>,
    %broadcast_in_dim3A_647 = arith.constant 48 : i32
    %broadcast_in_dim3A_648 = vector.broadcast %broadcast_in_dim3A_647 : i32 to vector<16xi32>
    %add3A_649 = arith.addi %broadcast_in_dim3A_648, %iota3A : vector<16xi32>
    %get3A_650 = arith.constant 240 : index
    %get3A_651 = tpu.vector_load %arg7[%get3A_650] {strides = array<i32>} : memref<512xi32, #tpu.memory_space<vmem>>, vector<16xi32>,
    %and3A_652 = arith.andi %get3A_651, %broadcast_in_dim3A_11 : vector<16xi32>
    %get3A_653 = arith.constant 240 : index
    %get3A_654 = tpu.vector_load %arg8[%get3A_653] {strides = array<i32>} : memref<512xi32, #tpu.memory_space<vmem>>, vector<16xi32>,
    %and3A_655 = arith.andi %get3A_654, %broadcast_in_dim3A_11 : vector<16xi32>
    %gather3A_656 = tpu.vector_load_idx %arg15[%add3A_649, %and3A_652] : memref<64x128xf32, #tpu.memory_space<vmem>>[vector<16xi32>, vector<16xi32>], vector<16xf32>,
    %gather3A_657 = tpu.vector_load_idx %arg19[%add3A_649, %and3A_655] : memref<64x128xf32, #tpu.memory_space<vmem>>[vector<16xi32>, vector<16xi32>], vector<16xf32>,
    %add3A_658 = arith.addf %gather3A_656, %gather3A_657 : vector<16xf32>
    %swap3A_659 = arith.constant 240 : index
    %swap3A_660 = tpu.vector_load %arg11[%swap3A_659] {strides = array<i32>} : memref<512xf32, #tpu.memory_space<vmem>>, vector<16xf32>,
    tpu.vector_store %arg11[%swap3A_659], %add3A_658 {strides = array<i32>} : memref<512xf32, #tpu.memory_space<vmem>>, vector<16xf32>,
    %dma_start3A_661 = arith.constant 448 : i32
    %dma_start3A_662 = tpu.memref_slice %arg9[%dma_start3A_661] : memref<512xi32, #tpu.memory_space<vmem>> -> memref<64xi32, #tpu.memory_space<vmem>>
    %dma_start3A_663 = arith.constant 0 : i32
    %dma_start3A_664 = arith.constant 0 : i32
    %dma_start3A_665 = tpu.memref_slice %arg2[%dma_start3A_663, %dma_start3A_664] : memref<8192x128xf32, #tpu.memory_space<hbm>> -> memref<8192x128xf32, #tpu.memory_space<hbm>>
    tpu.enqueue_indirect_dma source(%dma_start3A_665 : memref<8192x128xf32, #tpu.memory_space<hbm>>) target(%arg15 : memref<64x128xf32, #tpu.memory_space<vmem>>) offsets(%dma_start3A_662 : memref<64xi32, #tpu.memory_space<vmem>>) semaphore(%arg25 : memref<!tpu.dma_semaphore, #tpu.memory_space<semaphore_mem>>)
    %dma_start3A_666 = arith.constant 448 : i32
    %dma_start3A_667 = tpu.memref_slice %arg10[%dma_start3A_666] : memref<512xi32, #tpu.memory_space<vmem>> -> memref<64xi32, #tpu.memory_space<vmem>>
    %dma_start3A_668 = arith.constant 0 : i32
    %dma_start3A_669 = arith.constant 0 : i32
    %dma_start3A_670 = tpu.memref_slice %arg3[%dma_start3A_668, %dma_start3A_669] : memref<8192x128xf32, #tpu.memory_space<hbm>> -> memref<8192x128xf32, #tpu.memory_space<hbm>>
    tpu.enqueue_indirect_dma source(%dma_start3A_670 : memref<8192x128xf32, #tpu.memory_space<hbm>>) target(%arg19 : memref<64x128xf32, #tpu.memory_space<vmem>>) offsets(%dma_start3A_667 : memref<64xi32, #tpu.memory_space<vmem>>) semaphore(%arg29 : memref<!tpu.dma_semaphore, #tpu.memory_space<semaphore_mem>>)
    %dma_wait3A_671 = arith.constant 256 : i32
    %dma_wait3A_672 = tpu.memref_slice %arg9[%dma_wait3A_671] : memref<512xi32, #tpu.memory_space<vmem>> -> memref<64xi32, #tpu.memory_space<vmem>>
    %dma_wait3A_673 = arith.constant 0 : i32
    %dma_wait3A_674 = arith.constant 0 : i32
    %dma_wait3A_675 = tpu.memref_slice %arg2[%dma_wait3A_673, %dma_wait3A_674] : memref<8192x128xf32, #tpu.memory_space<hbm>> -> memref<8192x128xf32, #tpu.memory_space<hbm>>
    tpu.wait_indirect_dma semaphore(%arg22 : memref<!tpu.dma_semaphore, #tpu.memory_space<semaphore_mem>>) src(%dma_wait3A_675 : memref<8192x128xf32, #tpu.memory_space<hbm>>) dst(%arg12 : memref<64x128xf32, #tpu.memory_space<vmem>>)
    %dma_wait3A_676 = arith.constant 256 : i32
    %dma_wait3A_677 = tpu.memref_slice %arg10[%dma_wait3A_676] : memref<512xi32, #tpu.memory_space<vmem>> -> memref<64xi32, #tpu.memory_space<vmem>>
    %dma_wait3A_678 = arith.constant 0 : i32
    %dma_wait3A_679 = arith.constant 0 : i32
    %dma_wait3A_680 = tpu.memref_slice %arg3[%dma_wait3A_678, %dma_wait3A_679] : memref<8192x128xf32, #tpu.memory_space<hbm>> -> memref<8192x128xf32, #tpu.memory_space<hbm>>
    tpu.wait_indirect_dma semaphore(%arg26 : memref<!tpu.dma_semaphore, #tpu.memory_space<semaphore_mem>>) src(%dma_wait3A_680 : memref<8192x128xf32, #tpu.memory_space<hbm>>) dst(%arg16 : memref<64x128xf32, #tpu.memory_space<vmem>>)
    %broadcast_in_dim3A_681 = arith.constant 0 : i32
    %broadcast_in_dim3A_682 = vector.broadcast %broadcast_in_dim3A_681 : i32 to vector<16xi32>
    %add3A_683 = arith.addi %broadcast_in_dim3A_682, %iota3A : vector<16xi32>
    %get3A_684 = arith.constant 256 : index
    %get3A_685 = tpu.vector_load %arg7[%get3A_684] {strides = array<i32>} : memref<512xi32, #tpu.memory_space<vmem>>, vector<16xi32>,
    %and3A_686 = arith.andi %get3A_685, %broadcast_in_dim3A_11 : vector<16xi32>
    %get3A_687 = arith.constant 256 : index
    %get3A_688 = tpu.vector_load %arg8[%get3A_687] {strides = array<i32>} : memref<512xi32, #tpu.memory_space<vmem>>, vector<16xi32>,
    %and3A_689 = arith.andi %get3A_688, %broadcast_in_dim3A_11 : vector<16xi32>
    %gather3A_690 = tpu.vector_load_idx %arg12[%add3A_683, %and3A_686] : memref<64x128xf32, #tpu.memory_space<vmem>>[vector<16xi32>, vector<16xi32>], vector<16xf32>,
    %gather3A_691 = tpu.vector_load_idx %arg16[%add3A_683, %and3A_689] : memref<64x128xf32, #tpu.memory_space<vmem>>[vector<16xi32>, vector<16xi32>], vector<16xf32>,
    %add3A_692 = arith.addf %gather3A_690, %gather3A_691 : vector<16xf32>
    %swap3A_693 = arith.constant 256 : index
    %swap3A_694 = tpu.vector_load %arg11[%swap3A_693] {strides = array<i32>} : memref<512xf32, #tpu.memory_space<vmem>>, vector<16xf32>,
    tpu.vector_store %arg11[%swap3A_693], %add3A_692 {strides = array<i32>} : memref<512xf32, #tpu.memory_space<vmem>>, vector<16xf32>,
    %broadcast_in_dim3A_695 = arith.constant 16 : i32
    %broadcast_in_dim3A_696 = vector.broadcast %broadcast_in_dim3A_695 : i32 to vector<16xi32>
    %add3A_697 = arith.addi %broadcast_in_dim3A_696, %iota3A : vector<16xi32>
    %get3A_698 = arith.constant 272 : index
    %get3A_699 = tpu.vector_load %arg7[%get3A_698] {strides = array<i32>} : memref<512xi32, #tpu.memory_space<vmem>>, vector<16xi32>,
    %and3A_700 = arith.andi %get3A_699, %broadcast_in_dim3A_11 : vector<16xi32>
    %get3A_701 = arith.constant 272 : index
    %get3A_702 = tpu.vector_load %arg8[%get3A_701] {strides = array<i32>} : memref<512xi32, #tpu.memory_space<vmem>>, vector<16xi32>,
    %and3A_703 = arith.andi %get3A_702, %broadcast_in_dim3A_11 : vector<16xi32>
    %gather3A_704 = tpu.vector_load_idx %arg12[%add3A_697, %and3A_700] : memref<64x128xf32, #tpu.memory_space<vmem>>[vector<16xi32>, vector<16xi32>], vector<16xf32>,
    %gather3A_705 = tpu.vector_load_idx %arg16[%add3A_697, %and3A_703] : memref<64x128xf32, #tpu.memory_space<vmem>>[vector<16xi32>, vector<16xi32>], vector<16xf32>,
    %add3A_706 = arith.addf %gather3A_704, %gather3A_705 : vector<16xf32>
    %swap3A_707 = arith.constant 272 : index
    %swap3A_708 = tpu.vector_load %arg11[%swap3A_707] {strides = array<i32>} : memref<512xf32, #tpu.memory_space<vmem>>, vector<16xf32>,
    tpu.vector_store %arg11[%swap3A_707], %add3A_706 {strides = array<i32>} : memref<512xf32, #tpu.memory_space<vmem>>, vector<16xf32>,
    %broadcast_in_dim3A_709 = arith.constant 32 : i32
    %broadcast_in_dim3A_710 = vector.broadcast %broadcast_in_dim3A_709 : i32 to vector<16xi32>
    %add3A_711 = arith.addi %broadcast_in_dim3A_710, %iota3A : vector<16xi32>
    %get3A_712 = arith.constant 288 : index
    %get3A_713 = tpu.vector_load %arg7[%get3A_712] {strides = array<i32>} : memref<512xi32, #tpu.memory_space<vmem>>, vector<16xi32>,
    %and3A_714 = arith.andi %get3A_713, %broadcast_in_dim3A_11 : vector<16xi32>
    %get3A_715 = arith.constant 288 : index
    %get3A_716 = tpu.vector_load %arg8[%get3A_715] {strides = array<i32>} : memref<512xi32, #tpu.memory_space<vmem>>, vector<16xi32>,
    %and3A_717 = arith.andi %get3A_716, %broadcast_in_dim3A_11 : vector<16xi32>
    %gather3A_718 = tpu.vector_load_idx %arg12[%add3A_711, %and3A_714] : memref<64x128xf32, #tpu.memory_space<vmem>>[vector<16xi32>, vector<16xi32>], vector<16xf32>,
    %gather3A_719 = tpu.vector_load_idx %arg16[%add3A_711, %and3A_717] : memref<64x128xf32, #tpu.memory_space<vmem>>[vector<16xi32>, vector<16xi32>], vector<16xf32>,
    %add3A_720 = arith.addf %gather3A_718, %gather3A_719 : vector<16xf32>
    %swap3A_721 = arith.constant 288 : index
    %swap3A_722 = tpu.vector_load %arg11[%swap3A_721] {strides = array<i32>} : memref<512xf32, #tpu.memory_space<vmem>>, vector<16xf32>,
    tpu.vector_store %arg11[%swap3A_721], %add3A_720 {strides = array<i32>} : memref<512xf32, #tpu.memory_space<vmem>>, vector<16xf32>,
    %broadcast_in_dim3A_723 = arith.constant 48 : i32
    %broadcast_in_dim3A_724 = vector.broadcast %broadcast_in_dim3A_723 : i32 to vector<16xi32>
    %add3A_725 = arith.addi %broadcast_in_dim3A_724, %iota3A : vector<16xi32>
    %get3A_726 = arith.constant 304 : index
    %get3A_727 = tpu.vector_load %arg7[%get3A_726] {strides = array<i32>} : memref<512xi32, #tpu.memory_space<vmem>>, vector<16xi32>,
    %and3A_728 = arith.andi %get3A_727, %broadcast_in_dim3A_11 : vector<16xi32>
    %get3A_729 = arith.constant 304 : index
    %get3A_730 = tpu.vector_load %arg8[%get3A_729] {strides = array<i32>} : memref<512xi32, #tpu.memory_space<vmem>>, vector<16xi32>,
    %and3A_731 = arith.andi %get3A_730, %broadcast_in_dim3A_11 : vector<16xi32>
    %gather3A_732 = tpu.vector_load_idx %arg12[%add3A_725, %and3A_728] : memref<64x128xf32, #tpu.memory_space<vmem>>[vector<16xi32>, vector<16xi32>], vector<16xf32>,
    %gather3A_733 = tpu.vector_load_idx %arg16[%add3A_725, %and3A_731] : memref<64x128xf32, #tpu.memory_space<vmem>>[vector<16xi32>, vector<16xi32>], vector<16xf32>,
    %add3A_734 = arith.addf %gather3A_732, %gather3A_733 : vector<16xf32>
    %swap3A_735 = arith.constant 304 : index
    %swap3A_736 = tpu.vector_load %arg11[%swap3A_735] {strides = array<i32>} : memref<512xf32, #tpu.memory_space<vmem>>, vector<16xf32>,
    tpu.vector_store %arg11[%swap3A_735], %add3A_734 {strides = array<i32>} : memref<512xf32, #tpu.memory_space<vmem>>, vector<16xf32>,
    %dma_wait3A_737 = arith.constant 320 : i32
    %dma_wait3A_738 = tpu.memref_slice %arg9[%dma_wait3A_737] : memref<512xi32, #tpu.memory_space<vmem>> -> memref<64xi32, #tpu.memory_space<vmem>>
    %dma_wait3A_739 = arith.constant 0 : i32
    %dma_wait3A_740 = arith.constant 0 : i32
    %dma_wait3A_741 = tpu.memref_slice %arg2[%dma_wait3A_739, %dma_wait3A_740] : memref<8192x128xf32, #tpu.memory_space<hbm>> -> memref<8192x128xf32, #tpu.memory_space<hbm>>
    tpu.wait_indirect_dma semaphore(%arg23 : memref<!tpu.dma_semaphore, #tpu.memory_space<semaphore_mem>>) src(%dma_wait3A_741 : memref<8192x128xf32, #tpu.memory_space<hbm>>) dst(%arg13 : memref<64x128xf32, #tpu.memory_space<vmem>>)
    %dma_wait3A_742 = arith.constant 320 : i32
    %dma_wait3A_743 = tpu.memref_slice %arg10[%dma_wait3A_742] : memref<512xi32, #tpu.memory_space<vmem>> -> memref<64xi32, #tpu.memory_space<vmem>>
    %dma_wait3A_744 = arith.constant 0 : i32
    %dma_wait3A_745 = arith.constant 0 : i32
    %dma_wait3A_746 = tpu.memref_slice %arg3[%dma_wait3A_744, %dma_wait3A_745] : memref<8192x128xf32, #tpu.memory_space<hbm>> -> memref<8192x128xf32, #tpu.memory_space<hbm>>
    tpu.wait_indirect_dma semaphore(%arg27 : memref<!tpu.dma_semaphore, #tpu.memory_space<semaphore_mem>>) src(%dma_wait3A_746 : memref<8192x128xf32, #tpu.memory_space<hbm>>) dst(%arg17 : memref<64x128xf32, #tpu.memory_space<vmem>>)
    %broadcast_in_dim3A_747 = arith.constant 0 : i32
    %broadcast_in_dim3A_748 = vector.broadcast %broadcast_in_dim3A_747 : i32 to vector<16xi32>
    %add3A_749 = arith.addi %broadcast_in_dim3A_748, %iota3A : vector<16xi32>
    %get3A_750 = arith.constant 320 : index
    %get3A_751 = tpu.vector_load %arg7[%get3A_750] {strides = array<i32>} : memref<512xi32, #tpu.memory_space<vmem>>, vector<16xi32>,
    %and3A_752 = arith.andi %get3A_751, %broadcast_in_dim3A_11 : vector<16xi32>
    %get3A_753 = arith.constant 320 : index
    %get3A_754 = tpu.vector_load %arg8[%get3A_753] {strides = array<i32>} : memref<512xi32, #tpu.memory_space<vmem>>, vector<16xi32>,
    %and3A_755 = arith.andi %get3A_754, %broadcast_in_dim3A_11 : vector<16xi32>
    %gather3A_756 = tpu.vector_load_idx %arg13[%add3A_749, %and3A_752] : memref<64x128xf32, #tpu.memory_space<vmem>>[vector<16xi32>, vector<16xi32>], vector<16xf32>,
    %gather3A_757 = tpu.vector_load_idx %arg17[%add3A_749, %and3A_755] : memref<64x128xf32, #tpu.memory_space<vmem>>[vector<16xi32>, vector<16xi32>], vector<16xf32>,
    %add3A_758 = arith.addf %gather3A_756, %gather3A_757 : vector<16xf32>
    %swap3A_759 = arith.constant 320 : index
    %swap3A_760 = tpu.vector_load %arg11[%swap3A_759] {strides = array<i32>} : memref<512xf32, #tpu.memory_space<vmem>>, vector<16xf32>,
    tpu.vector_store %arg11[%swap3A_759], %add3A_758 {strides = array<i32>} : memref<512xf32, #tpu.memory_space<vmem>>, vector<16xf32>,
    %broadcast_in_dim3A_761 = arith.constant 16 : i32
    %broadcast_in_dim3A_762 = vector.broadcast %broadcast_in_dim3A_761 : i32 to vector<16xi32>
    %add3A_763 = arith.addi %broadcast_in_dim3A_762, %iota3A : vector<16xi32>
    %get3A_764 = arith.constant 336 : index
    %get3A_765 = tpu.vector_load %arg7[%get3A_764] {strides = array<i32>} : memref<512xi32, #tpu.memory_space<vmem>>, vector<16xi32>,
    %and3A_766 = arith.andi %get3A_765, %broadcast_in_dim3A_11 : vector<16xi32>
    %get3A_767 = arith.constant 336 : index
    %get3A_768 = tpu.vector_load %arg8[%get3A_767] {strides = array<i32>} : memref<512xi32, #tpu.memory_space<vmem>>, vector<16xi32>,
    %and3A_769 = arith.andi %get3A_768, %broadcast_in_dim3A_11 : vector<16xi32>
    %gather3A_770 = tpu.vector_load_idx %arg13[%add3A_763, %and3A_766] : memref<64x128xf32, #tpu.memory_space<vmem>>[vector<16xi32>, vector<16xi32>], vector<16xf32>,
    %gather3A_771 = tpu.vector_load_idx %arg17[%add3A_763, %and3A_769] : memref<64x128xf32, #tpu.memory_space<vmem>>[vector<16xi32>, vector<16xi32>], vector<16xf32>,
    %add3A_772 = arith.addf %gather3A_770, %gather3A_771 : vector<16xf32>
    %swap3A_773 = arith.constant 336 : index
    %swap3A_774 = tpu.vector_load %arg11[%swap3A_773] {strides = array<i32>} : memref<512xf32, #tpu.memory_space<vmem>>, vector<16xf32>,
    tpu.vector_store %arg11[%swap3A_773], %add3A_772 {strides = array<i32>} : memref<512xf32, #tpu.memory_space<vmem>>, vector<16xf32>,
    %broadcast_in_dim3A_775 = arith.constant 32 : i32
    %broadcast_in_dim3A_776 = vector.broadcast %broadcast_in_dim3A_775 : i32 to vector<16xi32>
    %add3A_777 = arith.addi %broadcast_in_dim3A_776, %iota3A : vector<16xi32>
    %get3A_778 = arith.constant 352 : index
    %get3A_779 = tpu.vector_load %arg7[%get3A_778] {strides = array<i32>} : memref<512xi32, #tpu.memory_space<vmem>>, vector<16xi32>,
    %and3A_780 = arith.andi %get3A_779, %broadcast_in_dim3A_11 : vector<16xi32>
    %get3A_781 = arith.constant 352 : index
    %get3A_782 = tpu.vector_load %arg8[%get3A_781] {strides = array<i32>} : memref<512xi32, #tpu.memory_space<vmem>>, vector<16xi32>,
    %and3A_783 = arith.andi %get3A_782, %broadcast_in_dim3A_11 : vector<16xi32>
    %gather3A_784 = tpu.vector_load_idx %arg13[%add3A_777, %and3A_780] : memref<64x128xf32, #tpu.memory_space<vmem>>[vector<16xi32>, vector<16xi32>], vector<16xf32>,
    %gather3A_785 = tpu.vector_load_idx %arg17[%add3A_777, %and3A_783] : memref<64x128xf32, #tpu.memory_space<vmem>>[vector<16xi32>, vector<16xi32>], vector<16xf32>,
    %add3A_786 = arith.addf %gather3A_784, %gather3A_785 : vector<16xf32>
    %swap3A_787 = arith.constant 352 : index
    %swap3A_788 = tpu.vector_load %arg11[%swap3A_787] {strides = array<i32>} : memref<512xf32, #tpu.memory_space<vmem>>, vector<16xf32>,
    tpu.vector_store %arg11[%swap3A_787], %add3A_786 {strides = array<i32>} : memref<512xf32, #tpu.memory_space<vmem>>, vector<16xf32>,
    %broadcast_in_dim3A_789 = arith.constant 48 : i32
    %broadcast_in_dim3A_790 = vector.broadcast %broadcast_in_dim3A_789 : i32 to vector<16xi32>
    %add3A_791 = arith.addi %broadcast_in_dim3A_790, %iota3A : vector<16xi32>
    %get3A_792 = arith.constant 368 : index
    %get3A_793 = tpu.vector_load %arg7[%get3A_792] {strides = array<i32>} : memref<512xi32, #tpu.memory_space<vmem>>, vector<16xi32>,
    %and3A_794 = arith.andi %get3A_793, %broadcast_in_dim3A_11 : vector<16xi32>
    %get3A_795 = arith.constant 368 : index
    %get3A_796 = tpu.vector_load %arg8[%get3A_795] {strides = array<i32>} : memref<512xi32, #tpu.memory_space<vmem>>, vector<16xi32>,
    %and3A_797 = arith.andi %get3A_796, %broadcast_in_dim3A_11 : vector<16xi32>
    %gather3A_798 = tpu.vector_load_idx %arg13[%add3A_791, %and3A_794] : memref<64x128xf32, #tpu.memory_space<vmem>>[vector<16xi32>, vector<16xi32>], vector<16xf32>,
    %gather3A_799 = tpu.vector_load_idx %arg17[%add3A_791, %and3A_797] : memref<64x128xf32, #tpu.memory_space<vmem>>[vector<16xi32>, vector<16xi32>], vector<16xf32>,
    %add3A_800 = arith.addf %gather3A_798, %gather3A_799 : vector<16xf32>
    %swap3A_801 = arith.constant 368 : index
    %swap3A_802 = tpu.vector_load %arg11[%swap3A_801] {strides = array<i32>} : memref<512xf32, #tpu.memory_space<vmem>>, vector<16xf32>,
    tpu.vector_store %arg11[%swap3A_801], %add3A_800 {strides = array<i32>} : memref<512xf32, #tpu.memory_space<vmem>>, vector<16xf32>,
    %dma_wait3A_803 = arith.constant 384 : i32
    %dma_wait3A_804 = tpu.memref_slice %arg9[%dma_wait3A_803] : memref<512xi32, #tpu.memory_space<vmem>> -> memref<64xi32, #tpu.memory_space<vmem>>
    %dma_wait3A_805 = arith.constant 0 : i32
    %dma_wait3A_806 = arith.constant 0 : i32
    %dma_wait3A_807 = tpu.memref_slice %arg2[%dma_wait3A_805, %dma_wait3A_806] : memref<8192x128xf32, #tpu.memory_space<hbm>> -> memref<8192x128xf32, #tpu.memory_space<hbm>>
    tpu.wait_indirect_dma semaphore(%arg24 : memref<!tpu.dma_semaphore, #tpu.memory_space<semaphore_mem>>) src(%dma_wait3A_807 : memref<8192x128xf32, #tpu.memory_space<hbm>>) dst(%arg14 : memref<64x128xf32, #tpu.memory_space<vmem>>)
    %dma_wait3A_808 = arith.constant 384 : i32
    %dma_wait3A_809 = tpu.memref_slice %arg10[%dma_wait3A_808] : memref<512xi32, #tpu.memory_space<vmem>> -> memref<64xi32, #tpu.memory_space<vmem>>
    %dma_wait3A_810 = arith.constant 0 : i32
    %dma_wait3A_811 = arith.constant 0 : i32
    %dma_wait3A_812 = tpu.memref_slice %arg3[%dma_wait3A_810, %dma_wait3A_811] : memref<8192x128xf32, #tpu.memory_space<hbm>> -> memref<8192x128xf32, #tpu.memory_space<hbm>>
    tpu.wait_indirect_dma semaphore(%arg28 : memref<!tpu.dma_semaphore, #tpu.memory_space<semaphore_mem>>) src(%dma_wait3A_812 : memref<8192x128xf32, #tpu.memory_space<hbm>>) dst(%arg18 : memref<64x128xf32, #tpu.memory_space<vmem>>)
    %broadcast_in_dim3A_813 = arith.constant 0 : i32
    %broadcast_in_dim3A_814 = vector.broadcast %broadcast_in_dim3A_813 : i32 to vector<16xi32>
    %add3A_815 = arith.addi %broadcast_in_dim3A_814, %iota3A : vector<16xi32>
    %get3A_816 = arith.constant 384 : index
    %get3A_817 = tpu.vector_load %arg7[%get3A_816] {strides = array<i32>} : memref<512xi32, #tpu.memory_space<vmem>>, vector<16xi32>,
    %and3A_818 = arith.andi %get3A_817, %broadcast_in_dim3A_11 : vector<16xi32>
    %get3A_819 = arith.constant 384 : index
    %get3A_820 = tpu.vector_load %arg8[%get3A_819] {strides = array<i32>} : memref<512xi32, #tpu.memory_space<vmem>>, vector<16xi32>,
    %and3A_821 = arith.andi %get3A_820, %broadcast_in_dim3A_11 : vector<16xi32>
    %gather3A_822 = tpu.vector_load_idx %arg14[%add3A_815, %and3A_818] : memref<64x128xf32, #tpu.memory_space<vmem>>[vector<16xi32>, vector<16xi32>], vector<16xf32>,
    %gather3A_823 = tpu.vector_load_idx %arg18[%add3A_815, %and3A_821] : memref<64x128xf32, #tpu.memory_space<vmem>>[vector<16xi32>, vector<16xi32>], vector<16xf32>,
    %add3A_824 = arith.addf %gather3A_822, %gather3A_823 : vector<16xf32>
    %swap3A_825 = arith.constant 384 : index
    %swap3A_826 = tpu.vector_load %arg11[%swap3A_825] {strides = array<i32>} : memref<512xf32, #tpu.memory_space<vmem>>, vector<16xf32>,
    tpu.vector_store %arg11[%swap3A_825], %add3A_824 {strides = array<i32>} : memref<512xf32, #tpu.memory_space<vmem>>, vector<16xf32>,
    %broadcast_in_dim3A_827 = arith.constant 16 : i32
    %broadcast_in_dim3A_828 = vector.broadcast %broadcast_in_dim3A_827 : i32 to vector<16xi32>
    %add3A_829 = arith.addi %broadcast_in_dim3A_828, %iota3A : vector<16xi32>
    %get3A_830 = arith.constant 400 : index
    %get3A_831 = tpu.vector_load %arg7[%get3A_830] {strides = array<i32>} : memref<512xi32, #tpu.memory_space<vmem>>, vector<16xi32>,
    %and3A_832 = arith.andi %get3A_831, %broadcast_in_dim3A_11 : vector<16xi32>
    %get3A_833 = arith.constant 400 : index
    %get3A_834 = tpu.vector_load %arg8[%get3A_833] {strides = array<i32>} : memref<512xi32, #tpu.memory_space<vmem>>, vector<16xi32>,
    %and3A_835 = arith.andi %get3A_834, %broadcast_in_dim3A_11 : vector<16xi32>
    %gather3A_836 = tpu.vector_load_idx %arg14[%add3A_829, %and3A_832] : memref<64x128xf32, #tpu.memory_space<vmem>>[vector<16xi32>, vector<16xi32>], vector<16xf32>,
    %gather3A_837 = tpu.vector_load_idx %arg18[%add3A_829, %and3A_835] : memref<64x128xf32, #tpu.memory_space<vmem>>[vector<16xi32>, vector<16xi32>], vector<16xf32>,
    %add3A_838 = arith.addf %gather3A_836, %gather3A_837 : vector<16xf32>
    %swap3A_839 = arith.constant 400 : index
    %swap3A_840 = tpu.vector_load %arg11[%swap3A_839] {strides = array<i32>} : memref<512xf32, #tpu.memory_space<vmem>>, vector<16xf32>,
    tpu.vector_store %arg11[%swap3A_839], %add3A_838 {strides = array<i32>} : memref<512xf32, #tpu.memory_space<vmem>>, vector<16xf32>,
    %broadcast_in_dim3A_841 = arith.constant 32 : i32
    %broadcast_in_dim3A_842 = vector.broadcast %broadcast_in_dim3A_841 : i32 to vector<16xi32>
    %add3A_843 = arith.addi %broadcast_in_dim3A_842, %iota3A : vector<16xi32>
    %get3A_844 = arith.constant 416 : index
    %get3A_845 = tpu.vector_load %arg7[%get3A_844] {strides = array<i32>} : memref<512xi32, #tpu.memory_space<vmem>>, vector<16xi32>,
    %and3A_846 = arith.andi %get3A_845, %broadcast_in_dim3A_11 : vector<16xi32>
    %get3A_847 = arith.constant 416 : index
    %get3A_848 = tpu.vector_load %arg8[%get3A_847] {strides = array<i32>} : memref<512xi32, #tpu.memory_space<vmem>>, vector<16xi32>,
    %and3A_849 = arith.andi %get3A_848, %broadcast_in_dim3A_11 : vector<16xi32>
    %gather3A_850 = tpu.vector_load_idx %arg14[%add3A_843, %and3A_846] : memref<64x128xf32, #tpu.memory_space<vmem>>[vector<16xi32>, vector<16xi32>], vector<16xf32>,
    %gather3A_851 = tpu.vector_load_idx %arg18[%add3A_843, %and3A_849] : memref<64x128xf32, #tpu.memory_space<vmem>>[vector<16xi32>, vector<16xi32>], vector<16xf32>,
    %add3A_852 = arith.addf %gather3A_850, %gather3A_851 : vector<16xf32>
    %swap3A_853 = arith.constant 416 : index
    %swap3A_854 = tpu.vector_load %arg11[%swap3A_853] {strides = array<i32>} : memref<512xf32, #tpu.memory_space<vmem>>, vector<16xf32>,
    tpu.vector_store %arg11[%swap3A_853], %add3A_852 {strides = array<i32>} : memref<512xf32, #tpu.memory_space<vmem>>, vector<16xf32>,
    %broadcast_in_dim3A_855 = arith.constant 48 : i32
    %broadcast_in_dim3A_856 = vector.broadcast %broadcast_in_dim3A_855 : i32 to vector<16xi32>
    %add3A_857 = arith.addi %broadcast_in_dim3A_856, %iota3A : vector<16xi32>
    %get3A_858 = arith.constant 432 : index
    %get3A_859 = tpu.vector_load %arg7[%get3A_858] {strides = array<i32>} : memref<512xi32, #tpu.memory_space<vmem>>, vector<16xi32>,
    %and3A_860 = arith.andi %get3A_859, %broadcast_in_dim3A_11 : vector<16xi32>
    %get3A_861 = arith.constant 432 : index
    %get3A_862 = tpu.vector_load %arg8[%get3A_861] {strides = array<i32>} : memref<512xi32, #tpu.memory_space<vmem>>, vector<16xi32>,
    %and3A_863 = arith.andi %get3A_862, %broadcast_in_dim3A_11 : vector<16xi32>
    %gather3A_864 = tpu.vector_load_idx %arg14[%add3A_857, %and3A_860] : memref<64x128xf32, #tpu.memory_space<vmem>>[vector<16xi32>, vector<16xi32>], vector<16xf32>,
    %gather3A_865 = tpu.vector_load_idx %arg18[%add3A_857, %and3A_863] : memref<64x128xf32, #tpu.memory_space<vmem>>[vector<16xi32>, vector<16xi32>], vector<16xf32>,
    %add3A_866 = arith.addf %gather3A_864, %gather3A_865 : vector<16xf32>
    %swap3A_867 = arith.constant 432 : index
    %swap3A_868 = tpu.vector_load %arg11[%swap3A_867] {strides = array<i32>} : memref<512xf32, #tpu.memory_space<vmem>>, vector<16xf32>,
    tpu.vector_store %arg11[%swap3A_867], %add3A_866 {strides = array<i32>} : memref<512xf32, #tpu.memory_space<vmem>>, vector<16xf32>,
    %dma_wait3A_869 = arith.constant 448 : i32
    %dma_wait3A_870 = tpu.memref_slice %arg9[%dma_wait3A_869] : memref<512xi32, #tpu.memory_space<vmem>> -> memref<64xi32, #tpu.memory_space<vmem>>
    %dma_wait3A_871 = arith.constant 0 : i32
    %dma_wait3A_872 = arith.constant 0 : i32
    %dma_wait3A_873 = tpu.memref_slice %arg2[%dma_wait3A_871, %dma_wait3A_872] : memref<8192x128xf32, #tpu.memory_space<hbm>> -> memref<8192x128xf32, #tpu.memory_space<hbm>>
    tpu.wait_indirect_dma semaphore(%arg25 : memref<!tpu.dma_semaphore, #tpu.memory_space<semaphore_mem>>) src(%dma_wait3A_873 : memref<8192x128xf32, #tpu.memory_space<hbm>>) dst(%arg15 : memref<64x128xf32, #tpu.memory_space<vmem>>)
    %dma_wait3A_874 = arith.constant 448 : i32
    %dma_wait3A_875 = tpu.memref_slice %arg10[%dma_wait3A_874] : memref<512xi32, #tpu.memory_space<vmem>> -> memref<64xi32, #tpu.memory_space<vmem>>
    %dma_wait3A_876 = arith.constant 0 : i32
    %dma_wait3A_877 = arith.constant 0 : i32
    %dma_wait3A_878 = tpu.memref_slice %arg3[%dma_wait3A_876, %dma_wait3A_877] : memref<8192x128xf32, #tpu.memory_space<hbm>> -> memref<8192x128xf32, #tpu.memory_space<hbm>>
    tpu.wait_indirect_dma semaphore(%arg29 : memref<!tpu.dma_semaphore, #tpu.memory_space<semaphore_mem>>) src(%dma_wait3A_878 : memref<8192x128xf32, #tpu.memory_space<hbm>>) dst(%arg19 : memref<64x128xf32, #tpu.memory_space<vmem>>)
    %broadcast_in_dim3A_879 = arith.constant 0 : i32
    %broadcast_in_dim3A_880 = vector.broadcast %broadcast_in_dim3A_879 : i32 to vector<16xi32>
    %add3A_881 = arith.addi %broadcast_in_dim3A_880, %iota3A : vector<16xi32>
    %get3A_882 = arith.constant 448 : index
    %get3A_883 = tpu.vector_load %arg7[%get3A_882] {strides = array<i32>} : memref<512xi32, #tpu.memory_space<vmem>>, vector<16xi32>,
    %and3A_884 = arith.andi %get3A_883, %broadcast_in_dim3A_11 : vector<16xi32>
    %get3A_885 = arith.constant 448 : index
    %get3A_886 = tpu.vector_load %arg8[%get3A_885] {strides = array<i32>} : memref<512xi32, #tpu.memory_space<vmem>>, vector<16xi32>,
    %and3A_887 = arith.andi %get3A_886, %broadcast_in_dim3A_11 : vector<16xi32>
    %gather3A_888 = tpu.vector_load_idx %arg15[%add3A_881, %and3A_884] : memref<64x128xf32, #tpu.memory_space<vmem>>[vector<16xi32>, vector<16xi32>], vector<16xf32>,
    %gather3A_889 = tpu.vector_load_idx %arg19[%add3A_881, %and3A_887] : memref<64x128xf32, #tpu.memory_space<vmem>>[vector<16xi32>, vector<16xi32>], vector<16xf32>,
    %add3A_890 = arith.addf %gather3A_888, %gather3A_889 : vector<16xf32>
    %swap3A_891 = arith.constant 448 : index
    %swap3A_892 = tpu.vector_load %arg11[%swap3A_891] {strides = array<i32>} : memref<512xf32, #tpu.memory_space<vmem>>, vector<16xf32>,
    tpu.vector_store %arg11[%swap3A_891], %add3A_890 {strides = array<i32>} : memref<512xf32, #tpu.memory_space<vmem>>, vector<16xf32>,
    %broadcast_in_dim3A_893 = arith.constant 16 : i32
    %broadcast_in_dim3A_894 = vector.broadcast %broadcast_in_dim3A_893 : i32 to vector<16xi32>
    %add3A_895 = arith.addi %broadcast_in_dim3A_894, %iota3A : vector<16xi32>
    %get3A_896 = arith.constant 464 : index
    %get3A_897 = tpu.vector_load %arg7[%get3A_896] {strides = array<i32>} : memref<512xi32, #tpu.memory_space<vmem>>, vector<16xi32>,
    %and3A_898 = arith.andi %get3A_897, %broadcast_in_dim3A_11 : vector<16xi32>
    %get3A_899 = arith.constant 464 : index
    %get3A_900 = tpu.vector_load %arg8[%get3A_899] {strides = array<i32>} : memref<512xi32, #tpu.memory_space<vmem>>, vector<16xi32>,
    %and3A_901 = arith.andi %get3A_900, %broadcast_in_dim3A_11 : vector<16xi32>
    %gather3A_902 = tpu.vector_load_idx %arg15[%add3A_895, %and3A_898] : memref<64x128xf32, #tpu.memory_space<vmem>>[vector<16xi32>, vector<16xi32>], vector<16xf32>,
    %gather3A_903 = tpu.vector_load_idx %arg19[%add3A_895, %and3A_901] : memref<64x128xf32, #tpu.memory_space<vmem>>[vector<16xi32>, vector<16xi32>], vector<16xf32>,
    %add3A_904 = arith.addf %gather3A_902, %gather3A_903 : vector<16xf32>
    %swap3A_905 = arith.constant 464 : index
    %swap3A_906 = tpu.vector_load %arg11[%swap3A_905] {strides = array<i32>} : memref<512xf32, #tpu.memory_space<vmem>>, vector<16xf32>,
    tpu.vector_store %arg11[%swap3A_905], %add3A_904 {strides = array<i32>} : memref<512xf32, #tpu.memory_space<vmem>>, vector<16xf32>,
    %broadcast_in_dim3A_907 = arith.constant 32 : i32
    %broadcast_in_dim3A_908 = vector.broadcast %broadcast_in_dim3A_907 : i32 to vector<16xi32>
    %add3A_909 = arith.addi %broadcast_in_dim3A_908, %iota3A : vector<16xi32>
    %get3A_910 = arith.constant 480 : index
    %get3A_911 = tpu.vector_load %arg7[%get3A_910] {strides = array<i32>} : memref<512xi32, #tpu.memory_space<vmem>>, vector<16xi32>,
    %and3A_912 = arith.andi %get3A_911, %broadcast_in_dim3A_11 : vector<16xi32>
    %get3A_913 = arith.constant 480 : index
    %get3A_914 = tpu.vector_load %arg8[%get3A_913] {strides = array<i32>} : memref<512xi32, #tpu.memory_space<vmem>>, vector<16xi32>,
    %and3A_915 = arith.andi %get3A_914, %broadcast_in_dim3A_11 : vector<16xi32>
    %gather3A_916 = tpu.vector_load_idx %arg15[%add3A_909, %and3A_912] : memref<64x128xf32, #tpu.memory_space<vmem>>[vector<16xi32>, vector<16xi32>], vector<16xf32>,
    %gather3A_917 = tpu.vector_load_idx %arg19[%add3A_909, %and3A_915] : memref<64x128xf32, #tpu.memory_space<vmem>>[vector<16xi32>, vector<16xi32>], vector<16xf32>,
    %add3A_918 = arith.addf %gather3A_916, %gather3A_917 : vector<16xf32>
    %swap3A_919 = arith.constant 480 : index
    %swap3A_920 = tpu.vector_load %arg11[%swap3A_919] {strides = array<i32>} : memref<512xf32, #tpu.memory_space<vmem>>, vector<16xf32>,
    tpu.vector_store %arg11[%swap3A_919], %add3A_918 {strides = array<i32>} : memref<512xf32, #tpu.memory_space<vmem>>, vector<16xf32>,
    %broadcast_in_dim3A_921 = arith.constant 48 : i32
    %broadcast_in_dim3A_922 = vector.broadcast %broadcast_in_dim3A_921 : i32 to vector<16xi32>
    %add3A_923 = arith.addi %broadcast_in_dim3A_922, %iota3A : vector<16xi32>
    %get3A_924 = arith.constant 496 : index
    %get3A_925 = tpu.vector_load %arg7[%get3A_924] {strides = array<i32>} : memref<512xi32, #tpu.memory_space<vmem>>, vector<16xi32>,
    %and3A_926 = arith.andi %get3A_925, %broadcast_in_dim3A_11 : vector<16xi32>
    %get3A_927 = arith.constant 496 : index
    %get3A_928 = tpu.vector_load %arg8[%get3A_927] {strides = array<i32>} : memref<512xi32, #tpu.memory_space<vmem>>, vector<16xi32>,
    %and3A_929 = arith.andi %get3A_928, %broadcast_in_dim3A_11 : vector<16xi32>
    %gather3A_930 = tpu.vector_load_idx %arg15[%add3A_923, %and3A_926] : memref<64x128xf32, #tpu.memory_space<vmem>>[vector<16xi32>, vector<16xi32>], vector<16xf32>,
    %gather3A_931 = tpu.vector_load_idx %arg19[%add3A_923, %and3A_929] : memref<64x128xf32, #tpu.memory_space<vmem>>[vector<16xi32>, vector<16xi32>], vector<16xf32>,
    %add3A_932 = arith.addf %gather3A_930, %gather3A_931 : vector<16xf32>
    %swap3A_933 = arith.constant 496 : index
    %swap3A_934 = tpu.vector_load %arg11[%swap3A_933] {strides = array<i32>} : memref<512xf32, #tpu.memory_space<vmem>>, vector<16xf32>,
    tpu.vector_store %arg11[%swap3A_933], %add3A_932 {strides = array<i32>} : memref<512xf32, #tpu.memory_space<vmem>>, vector<16xf32>,
    "tpu.region"() ({
      %run_scoped3A = tpu.sem_alloc : memref<!tpu.dma_semaphore, #tpu.memory_space<semaphore_mem>>
      %dma_start3A_935 = tpu.memref_slice %arg6[%mul3A_2] : memref<16384xf32, #tpu.memory_space<hbm>> -> memref<512xf32, #tpu.memory_space<hbm>>
      %dma_start3A_936 = tpu.memref_slice %arg6[%mul3A_2] : memref<16384xf32, #tpu.memory_space<hbm>> -> memref<512xf32, #tpu.memory_space<hbm>>
      tpu.enqueue_dma source(%arg11 : memref<512xf32, #tpu.memory_space<vmem>>) target(%dma_start3A_936 : memref<512xf32, #tpu.memory_space<hbm>>) target_semaphore(%run_scoped3A : memref<!tpu.dma_semaphore, #tpu.memory_space<semaphore_mem>>)
      %dma_wait3A_937 = tpu.memref_slice %arg6[%mul3A_2] : memref<16384xf32, #tpu.memory_space<hbm>> -> memref<512xf32, #tpu.memory_space<hbm>>
      %dma_wait3A_938 = tpu.memref_slice %arg6[%mul3A_2] : memref<16384xf32, #tpu.memory_space<hbm>> -> memref<512xf32, #tpu.memory_space<hbm>>
      tpu.wait_dma2 semaphore(%run_scoped3A : memref<!tpu.dma_semaphore, #tpu.memory_space<semaphore_mem>>) src(%arg11 : memref<512xf32, #tpu.memory_space<vmem>>) dst(%dma_wait3A_938 : memref<512xf32, #tpu.memory_space<hbm>>)
      tpu.yield
    }) : () -> ()
    return
  }
}

module attributes {stable_mosaic.version = 14 : i64} {
  func.func @_mv_body(%arg0: i32, %arg1: memref<1x128xf32, #tpu.memory_space<vmem>>, %arg2: memref<1xf32, #tpu.memory_space<smem>>, %arg3: memref<8192x128xf32, #tpu.memory_space<vmem>>, %arg4: memref<8192xf32, #tpu.memory_space<vmem>>) attributes {dimension_semantics = [#tpu.dimension_semantics<arbitrary>], iteration_bounds = array<i64: 2>, scalar_prefetch = 0 : i64, scratch_operands = 0 : i64, tpu.core_type = #tpu.core_type<tc>, window_params = [{pipeline_mode = #tpu.pipeline_mode<synchronous>, transform_indices = @transform_0, window_bounds = array<i64: 1, 128>}, {transform_indices = @transform_1, window_bounds = array<i64: 1>}, {transform_indices = @transform_2, window_bounds = array<i64: 8192, 128>}, {transform_indices = @transform_3, window_bounds = array<i64: 8192>}]} {
    %get3A = arith.constant 0 : index
    %get3A_0 = arith.constant 0 : index
    %get3A_1 = vector.load %arg3[%get3A, %get3A_0] : memref<8192x128xf32, #tpu.memory_space<vmem>>, vector<8192x128xf32>
    %get3A_2 = arith.constant 0 : index
    %get3A_3 = arith.constant 0 : index
    %get3A_4 = vector.load %arg1[%get3A_2, %get3A_3] : memref<1x128xf32, #tpu.memory_space<vmem>>, vector<1x128xf32>
    %dot_general3A = arith.constant dense<0.000000e+00> : vector<8192x1xf32>
    %dot_general3A_5 = tpu.matmul %get3A_1, %get3A_4, %dot_general3A {dimension_numbers = #tpu.dot_dimension_numbers<[1], [1], [0], [0], [0, 0, 1, 0], [], []>, transpose_lhs_hint = false} : vector<8192x128xf32>, vector<1x128xf32>, vector<8192x1xf32> -> vector<8192x1xf32>
    %squeeze3A = vector.shape_cast %dot_general3A_5 : vector<8192x1xf32> to vector<8192xf32>
    %get3A_6 = arith.constant 0 : index
    %get3A_7 = memref.load %arg2[%get3A_6] : memref<1xf32, #tpu.memory_space<smem>>
    %add3A = vector.broadcast %get3A_7 : f32 to vector<8192xf32>
    %add3A_8 = arith.addf %squeeze3A, %add3A : vector<8192xf32>
    %swap3A = arith.constant 0 : index
    %swap3A_9 = vector.load %arg4[%swap3A] : memref<8192xf32, #tpu.memory_space<vmem>>, vector<8192xf32>
    tpu.vector_store %arg4[%swap3A], %add3A_8 {strides = array<i32>} : memref<8192xf32, #tpu.memory_space<vmem>>, vector<8192xf32>,
    return
  }
  func.func @transform_0(%arg0: i32) -> (i32, i32) {
    %c0_i32 = arith.constant 0 : i32
    %c0_i32_0 = arith.constant 0 : i32
    %c0_i32_1 = arith.constant 0 : i32
    return %c0_i32, %c0_i32_0 : i32, i32
  }
  func.func @transform_1(%arg0: i32) -> i32 {
    %c0_i32 = arith.constant 0 : i32
    %c0_i32_0 = arith.constant 0 : i32
    return %c0_i32 : i32
  }
  func.func @transform_2(%arg0: i32) -> (i32, i32) {
    %c0_i32 = arith.constant 0 : i32
    %c0_i32_0 = arith.constant 0 : i32
    return %arg0, %c0_i32 : i32, i32
  }
  func.func @transform_3(%arg0: i32) -> i32 {
    %c0_i32 = arith.constant 0 : i32
    return %arg0 : i32
  }
}

module attributes {stable_mosaic.version = 14 : i64} {
  func.func @_pad_body(%arg0: i32, %arg1: memref<1x524288xf32, #tpu.memory_space<vmem>>, %arg2: memref<1x524288xf32, #tpu.memory_space<vmem>>, %arg3: memref<1x524288xf32, #tpu.memory_space<vmem>>, %arg4: memref<1x524288xf32, #tpu.memory_space<vmem>>) attributes {dimension_semantics = [#tpu.dimension_semantics<arbitrary>], iteration_bounds = array<i64: 2>, scalar_prefetch = 0 : i64, scratch_operands = 0 : i64, tpu.core_type = #tpu.core_type<tc>, window_params = [{transform_indices = @transform_0, window_bounds = array<i64: 1, 524288>}, {transform_indices = @transform_1, window_bounds = array<i64: 1, 524288>}, {transform_indices = @transform_2, window_bounds = array<i64: 1, 524288>}, {transform_indices = @transform_3, window_bounds = array<i64: 1, 524288>}]} {
    %get3A = arith.constant 0 : index
    %get3A_0 = arith.constant 0 : index
    %get3A_1 = vector.load %arg1[%get3A, %get3A_0] : memref<1x524288xf32, #tpu.memory_space<vmem>>, vector<1x524288xf32>
    %swap3A = arith.constant 0 : index
    %swap3A_2 = arith.constant 0 : index
    %swap3A_3 = vector.load %arg3[%swap3A, %swap3A_2] : memref<1x524288xf32, #tpu.memory_space<vmem>>, vector<1x524288xf32>
    tpu.vector_store %arg3[%swap3A, %swap3A_2], %get3A_1 {strides = array<i32>} : memref<1x524288xf32, #tpu.memory_space<vmem>>, vector<1x524288xf32>,
    %get3A_4 = arith.constant 0 : index
    %get3A_5 = arith.constant 0 : index
    %get3A_6 = vector.load %arg2[%get3A_4, %get3A_5] : memref<1x524288xf32, #tpu.memory_space<vmem>>, vector<1x524288xf32>
    %swap3A_7 = arith.constant 0 : index
    %swap3A_8 = arith.constant 0 : index
    %swap3A_9 = vector.load %arg4[%swap3A_7, %swap3A_8] : memref<1x524288xf32, #tpu.memory_space<vmem>>, vector<1x524288xf32>
    tpu.vector_store %arg4[%swap3A_7, %swap3A_8], %get3A_6 {strides = array<i32>} : memref<1x524288xf32, #tpu.memory_space<vmem>>, vector<1x524288xf32>,
    return
  }
  func.func @transform_0(%arg0: i32) -> (i32, i32) {
    %c0_i32 = arith.constant 0 : i32
    %c0_i32_0 = arith.constant 0 : i32
    return %c0_i32, %arg0 : i32, i32
  }
  func.func @transform_1(%arg0: i32) -> (i32, i32) {
    %c0_i32 = arith.constant 0 : i32
    %c0_i32_0 = arith.constant 0 : i32
    return %c0_i32, %arg0 : i32, i32
  }
  func.func @transform_2(%arg0: i32) -> (i32, i32) {
    %c0_i32 = arith.constant 0 : i32
    %c0_i32_0 = arith.constant 0 : i32
    return %c0_i32, %arg0 : i32, i32
  }
  func.func @transform_3(%arg0: i32) -> (i32, i32) {
    %c0_i32 = arith.constant 0 : i32
    %c0_i32_0 = arith.constant 0 : i32
    return %c0_i32, %arg0 : i32, i32
  }
}

module attributes {stable_mosaic.version = 14 : i64} {
  func.func @_comb_body(%arg0: memref<16384xf32, #tpu.memory_space<vmem>>, %arg1: memref<16384xf32, #tpu.memory_space<vmem>>, %arg2: memref<16384xf32, #tpu.memory_space<vmem>>) attributes {dimension_semantics = [], scalar_prefetch = 0 : i64, scratch_operands = 0 : i64, tpu.core_type = #tpu.core_type<tc>} {
    %get3A = arith.constant 0 : index
    %get3A_0 = vector.load %arg0[%get3A] : memref<16384xf32, #tpu.memory_space<vmem>>, vector<16384xf32>
    %get3A_1 = arith.constant 0 : index
    %get3A_2 = vector.load %arg1[%get3A_1] : memref<16384xf32, #tpu.memory_space<vmem>>, vector<16384xf32>
    %add3A = arith.addf %get3A_0, %get3A_2 : vector<16384xf32>
    %swap3A = arith.constant 0 : index
    %swap3A_3 = vector.load %arg2[%swap3A] : memref<16384xf32, #tpu.memory_space<vmem>>, vector<16384xf32>
    tpu.vector_store %arg2[%swap3A], %add3A {strides = array<i32>} : memref<16384xf32, #tpu.memory_space<vmem>>, vector<16384xf32>,
    return
  }
}

</mosaic_0001>

<sc_bundles>
// kernel: kernel.6.cloned.1.call-start
scs
__scs_entry_jumppad:
0x0: {  	(pc) =	sbr.rel $0x88, $3  }
0x1: {  	(tag) =	ssettag $0x0;
	lr =	simm.s32 $0x1  }
0x2: {  	[smem:$0x3F9A] =	sst lr;
	_ =	strace $0xD0000000  }
0x3: {  	_ = 	snop  }
0x4: {  	_ = 	snop  }
0x5: {  	_ = 	snop  }
0x6: {  	_ = 	snop  }
0x7: {  	_ = 	snop  }
__scs_overlays_trampoline_lowered:
0x8: {  	[smem:$0x3FA9] =	sst s0  }
0x9: {  	[smem:$0x3FAA] =	sst s1  }
0xa: {  	[smem:$0x3FAB] =	sst s2  }
0xb: {  	[smem:$0x3FAC] =	sst s3  }
0xc: {  	[smem:$0x3FAD] =	sst s4  }
0xd: {  	[smem:$0x3FAE] =	sst s5  }
0xe: {  	[smem:$0x3FAF] =	sst s6  }
0xf: {  	[smem:$0x3FB0] =	sst s7  }
0x10: {  	[smem:$0x3FB1] =	sst s8  }
0x11: {  	[smem:$0x3FB2] =	sst s9;
	s0 =	simm.s32 @!p0 $0x0  }
0x12: {  	s1 =	sld [smem:$0x3F98];
	s0 =	simm.s32 @p0 $0x1  }
0x13: {  	[smem:$0x3FB3] =	sst s0;
	s0 =	simm.s32 @!p1 $0x0  }
0x14: {  	s2 =	sld [smem:$0x3F97];
	s0 =	simm.s32 @p1 $0x1  }
0x15: {  	[smem:$0x3FB4] =	sst s0;
	s0 =	simm.s32 @!p2 $0x0  }
0x16: {  	s3 =	sld [smem:$0x3FDB];
	s0 =	simm.s32 @p2 $0x1  }
0x17: {  	s4 =	simm.s32 $0x1BF5;
	[smem:$0x3FB6] =	sst s0  }
0x18: {  	s0 =	sld [smem:$0x3F99];
	_ =	swait.ge [sflag:s4], $0x0  }
0x19: {  	s7 =	sld [smem:$0x3F9A]  }
0x1a: {  	s8 =	sadd.s32 $0xFFFFE003, lr  }
0x1b: {  	s9 =	sadd.s32 $0xFFFFFEF7, lr;
	s5 =	simm.s32 $0xFFFFFFFF;
	p2 =	slt.u32 s8, $0xFFFFF086  }
0x1c: {  	p1 =	slt.u32 s9, $0xF7A;
	s5 =	simm.s32 @!p2 $0x0  }
0x1d: {  	s5 =	simm.s32 @p1 $0x1;
	p0 =	seq.s32 s7, s2  }
0x1e: {  	s7 =	smul.u32 @!p0 $0xF7A, s2;
	p2 =	seq.s32 @!p0 s5, $0x0  }
0x1f: {  	s9 =	smul.u32 $0xF7A, s1;
	s8 =	simm.s32 @!p0 $0x1BF5;
	p2 =	por !p2, p0  }
0x20: {  	[sflag:s8] =	ssyncset.s32 @!p0 $0xFFFFF086;
	s6 =	sadd.s32 @!p0 s3, s7;
	s7 =	simm.s32 @!p0 $0x108  }
0x21: {  	s3 =	sadd.s32 s3, s9;
	s6 =	sadd.s32 @!p0 $0x88, s6;
	s7 =	simm.s32 @p2 $0x1082  }
0x22: {  	[simem:s7], [sflag:s8] =	dma.local @!p0 [hbm:s6], $0xF7A  }
0x23: {  	s9 =	sor.u32 $0xD0000000, s2;
	s6 =	simm.s32 $0x108;
	_ =	swait.ge @!p0 [sflag:s8], $0x0  }
0x24: {  	s3 =	sadd.s32 $0x88, s3;
	s6 =	simm.s32 @!p1 $0x1082;
	[sflag:s4] =	ssyncset.s32 $0xFFFFF086  }
0x25: {  	[simem:s6], [sflag:s4] =	dma.local [hbm:s3], $0xF7A  }
0x26: {  	[smem:$0x3F9A] =	sst s1;
	(tag) =	ssettag s2;
	_ =	strace s9  }
0x27: {  	s1 =	sld [smem:$0x3FAA]  }
0x28: {  	s2 =	sld [smem:$0x3FAB]  }
0x29: {  	s4 =	sld [smem:$0x3FAD]  }
0x2a: {  	p0 =	seq.s32 s5, $0x0;
	s5 =	sld [smem:$0x3FAE]  }
0x2b: {  	s6 =	sld [smem:$0x3FAF]  }
0x2c: {  	s7 =	sld [smem:$0x3FB0]  }
0x2d: {  	s3 =	simm.s32 $0x108;
	s8 =	sld [smem:$0x3FB1]  }
0x2e: {  	s3 =	simm.s32 @!p0 $0x1082;
	s9 =	sld [smem:$0x3FB2]  }
0x2f: {  	lr =	sadd.s32 s0, s3;
	s0 =	sld [smem:$0x3FA9]  }
0x30: {  	s3 =	sld [smem:$0x3FAC]  }
0x31: {  	[smem:$0x3FB5] =	sst s10  }
0x32: {  	s10 =	sld [smem:$0x3FB3];
	_ =	sdelay $0x3  }
0x33: {  	p0 =	seq.s32 s10, $0x1;
	s10 =	sld [smem:$0x3FB5];
	_ =	sdelay $0x3  }
0x34: {  	[smem:$0x3FB5] =	sst s10  }
0x35: {  	s10 =	sld [smem:$0x3FB4];
	_ =	sdelay $0x3  }
0x36: {  	p1 =	seq.s32 s10, $0x1;
	s10 =	sld [smem:$0x3FB5];
	_ =	sdelay $0x3  }
0x37: {  	[smem:$0x3FB5] =	sst s10  }
0x38: {  	s10 =	sld [smem:$0x3FB6]  }
0x39: {  	_ = 	snop;
	(pc) =	sbr.ind lr, $3  }
0x3a: {  	_ = 	snop  }
0x3b: {  	_ = 	snop  }
0x3c: {  	p2 =	seq.s32 s10, $0x1;
	s10 =	sld [smem:$0x3FB5]  }
0x3d: {  	_ =	shalt  }
0x3e: {  	_ =	shalt  }
0x3f: {  	_ =	shalt  }
0x40: {  	_ =	shalt  }
0x41: {  	_ =	shalt  }
0x42: {  	_ =	shalt  }
0x43: {  	_ =	shalt  }
0x44: {  	_ =	shalt  }
0x45: {  	_ =	shalt  }
0x46: {  	_ =	shalt  }
0x47: {  	_ =	shalt  }
0x48: {  	_ =	shalt  }
0x49: {  	_ =	shalt  }
0x4a: {  	_ =	shalt  }
0x4b: {  	_ =	shalt  }
0x4c: {  	_ =	shalt  }
0x4d: {  	_ =	shalt  }
0x4e: {  	_ =	shalt  }
0x4f: {  	_ =	shalt  }
0x50: {  	_ =	shalt  }
0x51: {  	_ =	shalt  }
0x52: {  	_ =	shalt  }
0x53: {  	_ =	shalt  }
0x54: {  	_ =	shalt  }
0x55: {  	_ =	shalt  }
0x56: {  	_ =	shalt  }
0x57: {  	_ =	shalt  }
0x58: {  	_ =	shalt  }
0x59: {  	_ =	shalt  }
0x5a: {  	_ =	shalt  }
0x5b: {  	_ =	shalt  }
0x5c: {  	_ =	shalt  }
0x5d: {  	_ =	shalt  }
0x5e: {  	_ =	shalt  }
0x5f: {  	_ =	shalt  }
0x60: {  	_ =	shalt  }
0x61: {  	_ =	shalt  }
0x62: {  	_ =	shalt  }
0x63: {  	_ =	shalt  }
0x64: {  	_ =	shalt  }
0x65: {  	_ =	shalt  }
0x66: {  	_ =	shalt  }
0x67: {  	_ =	shalt  }
0x68: {  	_ =	shalt  }
0x69: {  	_ =	shalt  }
0x6a: {  	_ =	shalt  }
0x6b: {  	_ =	shalt  }
0x6c: {  	_ =	shalt  }
0x6d: {  	_ =	shalt  }
0x6e: {  	_ =	shalt  }
0x6f: {  	_ =	shalt  }
0x70: {  	_ =	shalt  }
0x71: {  	_ =	shalt  }
0x72: {  	_ =	shalt  }
0x73: {  	_ =	shalt  }
0x74: {  	_ =	shalt  }
0x75: {  	_ =	shalt  }
0x76: {  	_ =	shalt  }
0x77: {  	_ =	shalt  }
0x78: {  	_ =	shalt  }
0x79: {  	_ =	shalt  }
0x7a: {  	_ =	shalt  }
0x7b: {  	_ =	shalt  }
0x7c: {  	_ =	shalt  }
0x7d: {  	_ =	shalt  }
0x7e: {  	_ =	shalt  }
0x7f: {  	_ =	shalt  }
0x80: {  	_ =	shalt  }
0x81: {  	_ =	shalt  }
0x82: {  	_ =	shalt  }
0x83: {  	_ =	shalt  }
0x84: {  	_ =	shalt  }
0x85: {  	_ =	shalt  }
0x86: {  	_ =	shalt  }
0x87: {  	_ =	shalt  }
.Lfunc_end0:
.L_simem_size_0:
called_computation_lowered:
.L_overlay_start_0:
0x88: {  	s2 =	sld [smem:$0x3FD9]  }
0x89: {  	s3 =	sld [smem:$0x3FFE];
	_ =	sdelay $0x1  }
0x8a: {  	s1 =	srdreg.scid  }
0x8b: {  	s0 =	sand.u32 $0x1, s1  }
0x8c: {  	s17 =	sshll.u32 s0, $0xA;
	s2 =	sadd.s32 s3, s2  }
0x8d: {  	s2 =	sadd.s32 s2, s17  }
0x8e: {  	[smem:$0x3FC1] =	sst s2  }
0x8f: {  	_ = 	snop  }
0x90: {  	s2 =	sld [smem:$0x3FC8]  }
0x91: {  	s18 =	sld [smem:$0x3FC7]  }
0x92: {  	s4 =	sld [smem:$0x3FD0];
	(tm) =	ssettm $0x1  }
0x93: {  	s5 =	sld [smem:$0x3FFB];
	_ =	sdelay $0x3  }
0x94: {  	_ =	strace s5  }
0x95: {  	s5 =	sld [smem:$0x3FFC];
	_ =	sdelay $0x3  }
0x96: {  	_ =	strace s5  }
0x97: {  	s5 =	sld [smem:$0x3FFD];
	_ =	sdelay $0x3  }
0x98: {  	_ =	strace s5  }
0x99: {  	_ =	strace $0x8FFFFFFF  }
0x9a: {  	s19 =	sld [smem:$0x3FDB];
	_ =	sdelay $0x1  }
0x9b: {  	s6 =	simm.s32 $_scs_section_size  }
0x9c: {  	s7 =	simm.s32 $_size__tile_overlayer_lowered;
	s8 =	simm.s32 $_tile_overlayer_lowered  }
0x9d: {  	s22 =	simm.s32 $0x1BFF;
	s21 =	sshll.u32 s8, $0x1;
	s5 =	sadd.s32 s6, s19  }
0x9e: {  	s9 =	simm.s32 $0x0;
	s20 =	sshll.u32 s7, $0x1;
	s7 =	sadd.s32 s21, s5  }
0x9f: {  	[timem:s9], [sflag:s22] =	dma.local [hbm:s7], s20  }
0xa0: {  	_ =	swait.ge [sflag:s22], s20  }
0xa1: {  	s6 =	ssub.s32 $0x0, s20;
	[sflag:s22] =	ssyncset.done $0x0  }
0xa2: {  	[sflag:s22] =	ssyncadd.s32 s6;
	_ =	sdelay $0x1  }
0xa3: {  	s23 =	simm.s32 $0x1B8B  }
0xa4: {  	_ =	swait.ge [sflag:s23], $0x1  }
0xa5: {  	[sflag:s23] =	ssyncset.done $0x0  }
0xa6: {  	s25 =	simm.s32 $0x1B8E;
	s24 =	sld [smem:$0x3FFE];
	[sflag:s23] =	ssyncadd.s32 $0xFFFFFFFF  }
0xa7: {  	s26 =	simm.s32 $execute0_lowered;
	[smem:$0x3FD2] =	sst s25  }
0xa8: {  	s7 =	sshll.u32 s26, $0x1;
	_ =	strace $0x80000046;
	[dreg:$0x1] =	wrdreg $0xFFFFFFFF  }
0xa9: {  	s28 =	simm.s32 $_size_execute0_lowered;
	s5 =	sadd.s32 s5, s7;
	[dreg:$0x0] =	wrdreg $0x0  }
0xaa: {  	s7 =	sshll.u32 s28, $0x1;
	[dreg:$0x2] =	wrdreg s5  }
0xab: {  	[dreg:$0x3] =	wrdreg s7  }
0xac: {  	[dreg:$0x4] =	wrdreg $0xC0  }
0xad: {  	_ =	task [dreg:s9], $0x5FFFF  }
0xae: {  	[dreg:$0x1] =	wrdreg $0xFFFFFFFF  }
0xaf: {  	[dreg:$0x0] =	wrdreg $0x60  }
0xb0: {  	[dreg:$0x2] =	wrdreg s24  }
0xb1: {  	[dreg:$0x3] =	wrdreg s2  }
0xb2: {  	[dreg:$0x4] =	wrdreg s18  }
0xb3: {  	[dreg:$0x5] =	wrdreg s4  }
0xb4: {  	[dreg:$0x6] =	wrdreg $0x9  }
0xb5: {  	_ =	task.clear_ibuf [dreg:s9], $0x7FFFF;
	_ =	strace $0x90000046  }
0xb6: {  	s29 =	simm.s32 $0x9;
	_ =	strace $0x80000048  }
0xb7: {  	_ =	swait.ge [sflag:s29], $0x1  }
0xb8: {  	[sflag:s29] =	ssyncadd.s32 $0xFFFFFFFF  }
0xb9: {  	_ =	strace $0x90000048  }
0xba: {  	_ =	sfence  }
0xbb: {  	s30 =	sld [smem:$0x0];
	_ =	sdelay $0x2  }
0xbc: {  	s31 =	sshll.u32 s1, $0xD;
	s1 =	sshrl.u32 s1, $0x2  }
0xbd: {  	s3 =	sand.u32 $0x4000, s31;
	s1 =	sadd.s32 s1, s30  }
0xbe: {  	s0 =	sor.u32 s3, s0;
	s1 =	sshll.u32 s1, $0x11  }
0xbf: {  	s0 =	sor.u32 s1, s0  }
0xc0: {  	s0 =	sadd.s32 $0x8F2B, s0  }
0xc1: {  	[sflag:s0] =	ssyncadd.remote.s32 $0x1  }
0xc2: {  	_ =	sfence.sel $0xFFFF  }
0xc3: {  	[dreg:$0x0] =	wrdreg $0xFFFFFFFF;
	(pc) =	sbr.abs _section_cstart, $3  }
0xc4: {  	[dreg:$0x1] =	wrdreg $0xFFFFFFFF  }
0xc5: {  	_ =	task.clear_ibuf [dreg:s9], $0x2FFFF;
	_ =	strace $0x9FFFFFFF  }
0xc6: {  	(tm) =	ssettm $0x7FFFFFFF  }
0xc7: {  	_ =	shalt  }
tec
execute0_lowered:
.L_overlay_start_1:
0x0: {  	(tag) =	ssettag $0x1  }
0x1: {  	s0 =	rddreg [dreg:$0x0]  }
0x2: {  	s4 =	rddreg [dreg:$0x1]  }
0x3: {  	s5 =	rddreg [dreg:$0x2]  }
0x4: {  	s6 =	rddreg [dreg:$0x3]  }
0x5: {  	s2 =	srdreg.scid;
	s1 =	stileid.u32;
	s15 =	simm.s32 $0x200  }
0x6: {  	s16 =	simm.s32 $0x400;
	s17 =	simm.s32 $0x600;
	s9 =	simm.s32 $0xA00  }
0x7: {  	s18 =	simm.s32 $0x440;
	s10 =	simm.s32 $0x8A00;
	s19 =	simm.s32 $0x640  }
0x8: {  	s11 =	simm.s32 $0x2A00;
	s7 =	sand.u32 $0x1, s2;
	s2 =	simm.s32 $0x0  }
0x9: {  	s20 =	simm.s32 $0x480;
	s21 =	simm.s32 $0x680;
	[smem:$0x7FF] =	sst s2  }
0xa: {  	s22 =	simm.s32 $0x4C0;
	_ =	strace $0x80000047;
	[dreg:$0x8] =	wrdreg s15  }
0xb: {  	s23 =	simm.s32 $0x6C0;
	s24 =	simm.s32 $0x500;
	[dreg:$0x9] =	wrdreg s16  }
0xc: {  	s25 =	simm.s32 $0x700;
	s26 =	simm.s32 $0x540;
	[dreg:$0xa] =	wrdreg s17  }
0xd: {  	s28 =	simm.s32 $0xA;
	s29 =	simm.s32 $0x5C0;
	[dreg:$0xb] =	wrdreg s18  }
0xe: {  	s30 =	simm.s32 $0x7C0;
	s31 =	simm.s32 $0x800;
	[dreg:$0xc] =	wrdreg s19  }
0xf: {  	s3 =	sshll.u32 s1, $0x7;
	s8 =	sshll.u32 s7, $0x6;
	[dreg:$0xd] =	wrdreg s20  }
0x10: {  	s7 =	ssub.s32 $0x2, s7;
	s8 =	sor.u32 s8, s3;
	[dreg:$0xe] =	wrdreg s21  }
0x11: {  	s3 =	sadd.s32 $0x1A00, s0;
	s13 =	sshrl.u32 s7, $0x1;
	[dreg:$0xf] =	wrdreg s22  }
0x12: {  	s15 =	simm.s32 $0x6A00;
	[dreg:$0x10] =	wrdreg s23;
	s16 =	simm.s32 $0xEA00  }
0x13: {  	[dreg:$0x11] =	wrdreg s24;
	s17 =	simm.s32 $0x3;
	s18 =	simm.s32 $0x7  }
0x14: {  	[dreg:$0x12] =	wrdreg s25;
	s19 =	simm.s32 $0x4;
	s20 =	simm.s32 $0x8  }
0x15: {  	[dreg:$0x13] =	wrdreg s26;
	s22 =	simm.s32 $0x5;
	s23 =	simm.s32 $0x9  }
0x16: {  	s25 =	simm.s32 $0x780;
	s26 =	simm.s32 $0x6;
	s4 =	sadd.s32 s4, s8  }
0x17: {  	s12 =	sadd.s32 s5, s8;
	s14 =	sadd.s32 s6, s8;
	s5 =	ssub.s32 s7, s13  }
0x18: {  	v0 =	vlaneseq.u32;
	s6 =	simm.s32 $0x1;
	s7 =	simm.s32 $0x2;
	[dreg:$0x5] =	wrdreg s4  }
0x19: {  	v0 =	vmul.u32 $0x80, v0;
	s8 =	simm.s32 $0x40;
	s13 =	simm.s32 $0x4A00;
	[dreg:$0x6] =	wrdreg s12  }
0x1a: {  	[dreg:$0x7] =	wrdreg s14;
	s4 =	sadd.s32 $0x21A00, s0;
	s5 =	smax.u32 s5, $0x1  }
0x1b: {  	v1 =	vor.u32 $0x800, v0;
	v2 =	vor.u32 $0x1000, v0;
	v3 =	vor.u32 $0x1800, v0;
	s12 =	simm.s32 $0xAA00;
	s14 =	simm.s32 $0xCA00;
	s0 =	simm.s32 $0xB  }
.LBB2_1:
0x1c: {  	s1 =	rddreg [dreg:$0x5]  }
0x1d: {  	s21 =	rddreg [dreg:$0x6]  }
0x1e: {  	[tilespmem:s2], [sflag:$0x1] =	stream.linear.gather [hbm4b:s1+s2], $0x200, $0x38;
	[tilespmem:$0x10A00] =	vst v63  }
0x1f: {  	s24 =	rddreg [dreg:$0x8]  }
0x20: {  	[tilespmem:s24], [sflag:$0x2] =	stream.linear.gather [hbm4b:s21+s2], $0x200, $0x38;
	[tilespmem:$0x10A00] =	vst v63  }
0x21: {  	_ =	swait.ge [sflag:s6], $0x200  }
0x22: {  	[sflag:s6] =	ssyncset.done $0x0  }
0x23: {  	[sflag:s6] =	ssyncadd.s32 $0xFFFFFE00  }
0x24: {  	_ =	swait.ge [sflag:s7], $0x200  }
0x25: {  	[sflag:s7] =	ssyncset.done $0x0  }
0x26: {  	[sflag:s7] =	ssyncadd.s32 $0xFFFFFE00  }
0x27: {  	v4 =	vld [tilespmem:$0x0]  }
0x28: {  	v5 =	vld [tilespmem:$0x200]  }
0x29: {  	v6 =	vld [tilespmem:$0x10]  }
0x2a: {  	v7 =	vld [tilespmem:$0x210]  }
0x2b: {  	v8 =	vld [tilespmem:$0x20]  }
0x2c: {  	v9 =	vld [tilespmem:$0x220];
	v4 =	vshrl.u32 v4, $0x7  }
0x2d: {  	[tilespmem:$0x400] =	vst v4;
	v4 =	vshrl.u32 v5, $0x7;
	v5 =	vld [tilespmem:$0x30]  }
0x2e: {  	v38 =	vld [tilespmem:$0x230];
	[tilespmem:$0x600] =	vst v4;
	v4 =	vshrl.u32 v6, $0x7  }
0x2f: {  	v39 =	vld [tilespmem:$0x40];
	[tilespmem:$0x410] =	vst v4;
	v4 =	vshrl.u32 v7, $0x7  }
0x30: {  	v40 =	vld [tilespmem:$0x240];
	[tilespmem:$0x610] =	vst v4;
	v4 =	vshrl.u32 v8, $0x7  }
0x31: {  	v41 =	vld [tilespmem:$0x50];
	[tilespmem:$0x420] =	vst v4;
	v4 =	vshrl.u32 v9, $0x7  }
0x32: {  	[tilespmem:$0x620] =	vst v4;
	v4 =	vshrl.u32 v5, $0x7;
	v5 =	vld [tilespmem:$0x250]  }
0x33: {  	v42 =	vld [tilespmem:$0x60];
	[tilespmem:$0x430] =	vst v4;
	v4 =	vshrl.u32 v38, $0x7  }
0x34: {  	v43 =	vld [tilespmem:$0x260];
	[tilespmem:$0x630] =	vst v4;
	v4 =	vshrl.u32 v39, $0x7  }
0x35: {  	v44 =	vld [tilespmem:$0x70];
	[tilespmem:$0x440] =	vst v4;
	v4 =	vshrl.u32 v40, $0x7  }
0x36: {  	v45 =	vld [tilespmem:$0x270];
	[tilespmem:$0x640] =	vst v4;
	v4 =	vshrl.u32 v41, $0x7  }
0x37: {  	[tilespmem:$0x450] =	vst v4;
	v4 =	vshrl.u32 v5, $0x7;
	v5 =	vld [tilespmem:$0x80]  }
0x38: {  	v46 =	vld [tilespmem:$0x280];
	[tilespmem:$0x650] =	vst v4;
	v4 =	vshrl.u32 v42, $0x7  }
0x39: {  	v47 =	vld [tilespmem:$0x90];
	[tilespmem:$0x460] =	vst v4;
	v4 =	vshrl.u32 v43, $0x7  }
0x3a: {  	v48 =	vld [tilespmem:$0x290];
	[tilespmem:$0x660] =	vst v4;
	v4 =	vshrl.u32 v44, $0x7  }
0x3b: {  	v49 =	vld [tilespmem:$0xA0];
	[tilespmem:$0x470] =	vst v4;
	v4 =	vshrl.u32 v45, $0x7  }
0x3c: {  	[tilespmem:$0x670] =	vst v4;
	v4 =	vshrl.u32 v5, $0x7;
	v5 =	vld [tilespmem:$0x2A0]  }
0x3d: {  	v50 =	vld [tilespmem:$0xB0];
	[tilespmem:$0x480] =	vst v4;
	v4 =	vshrl.u32 v46, $0x7  }
0x3e: {  	v51 =	vld [tilespmem:$0x2B0];
	[tilespmem:$0x680] =	vst v4;
	v4 =	vshrl.u32 v47, $0x7  }
0x3f: {  	v52 =	vld [tilespmem:$0xC0];
	[tilespmem:$0x490] =	vst v4;
	v4 =	vshrl.u32 v48, $0x7  }
0x40: {  	v53 =	vld [tilespmem:$0x2C0];
	[tilespmem:$0x690] =	vst v4;
	v4 =	vshrl.u32 v49, $0x7  }
0x41: {  	[tilespmem:$0x4A0] =	vst v4;
	v4 =	vshrl.u32 v5, $0x7;
	v5 =	vld [tilespmem:$0xD0]  }
0x42: {  	v54 =	vld [tilespmem:$0x2D0];
	[tilespmem:$0x6A0] =	vst v4;
	v4 =	vshrl.u32 v50, $0x7  }
0x43: {  	v55 =	vld [tilespmem:$0xE0];
	[tilespmem:$0x4B0] =	vst v4;
	v4 =	vshrl.u32 v51, $0x7  }
0x44: {  	v56 =	vld [tilespmem:$0x2E0];
	[tilespmem:$0x6B0] =	vst v4;
	v4 =	vshrl.u32 v52, $0x7  }
0x45: {  	v57 =	vld [tilespmem:$0xF0];
	[tilespmem:$0x4C0] =	vst v4;
	v4 =	vshrl.u32 v53, $0x7  }
0x46: {  	[tilespmem:$0x6C0] =	vst v4;
	v4 =	vshrl.u32 v5, $0x7;
	v5 =	vld [tilespmem:$0x2F0]  }
0x47: {  	v58 =	vld [tilespmem:$0x100];
	[tilespmem:$0x4D0] =	vst v4;
	v4 =	vshrl.u32 v54, $0x7  }
0x48: {  	v59 =	vld [tilespmem:$0x300];
	[tilespmem:$0x6D0] =	vst v4;
	v4 =	vshrl.u32 v55, $0x7  }
0x49: {  	v60 =	vld [tilespmem:$0x110];
	[tilespmem:$0x4E0] =	vst v4;
	v4 =	vshrl.u32 v56, $0x7  }
0x4a: {  	v61 =	vld [tilespmem:$0x310];
	[tilespmem:$0x6E0] =	vst v4;
	v4 =	vshrl.u32 v57, $0x7  }
0x4b: {  	[tilespmem:$0x4F0] =	vst v4;
	v4 =	vshrl.u32 v5, $0x7;
	v5 =	vld [tilespmem:$0x120]  }
0x4c: {  	v62 =	vld [tilespmem:$0x320];
	[tilespmem:$0x6F0] =	vst v4;
	v4 =	vshrl.u32 v58, $0x7  }
0x4d: {  	v63 =	vld [tilespmem:$0x130];
	[tilespmem:$0x500] =	vst v4;
	v4 =	vshrl.u32 v59, $0x7  }
0x4e: {  	v12 =	vld [tilespmem:$0x330];
	[tilespmem:$0x700] =	vst v4;
	v4 =	vshrl.u32 v60, $0x7  }
0x4f: {  	v13 =	vld [tilespmem:$0x140];
	[tilespmem:$0x510] =	vst v4;
	v4 =	vshrl.u32 v61, $0x7  }
0x50: {  	[tilespmem:$0x710] =	vst v4;
	v4 =	vshrl.u32 v5, $0x7;
	v5 =	vld [tilespmem:$0x340]  }
0x51: {  	v14 =	vld [tilespmem:$0x150];
	[tilespmem:$0x520] =	vst v4;
	v4 =	vshrl.u32 v62, $0x7  }
0x52: {  	v15 =	vld [tilespmem:$0x350];
	[tilespmem:$0x720] =	vst v4;
	v4 =	vshrl.u32 v63, $0x7  }
0x53: {  	v16 =	vld [tilespmem:$0x160];
	[tilespmem:$0x530] =	vst v4;
	v4 =	vshrl.u32 v12, $0x7  }
0x54: {  	v17 =	vld [tilespmem:$0x360];
	[tilespmem:$0x730] =	vst v4;
	v4 =	vshrl.u32 v13, $0x7  }
0x55: {  	[tilespmem:$0x540] =	vst v4;
	v4 =	vshrl.u32 v5, $0x7;
	v5 =	vld [tilespmem:$0x170]  }
0x56: {  	v18 =	vld [tilespmem:$0x370];
	[tilespmem:$0x740] =	vst v4;
	v4 =	vshrl.u32 v14, $0x7  }
0x57: {  	v19 =	vld [tilespmem:$0x180];
	[tilespmem:$0x550] =	vst v4;
	v4 =	vshrl.u32 v15, $0x7  }
0x58: {  	v20 =	vld [tilespmem:$0x380];
	[tilespmem:$0x750] =	vst v4;
	v4 =	vshrl.u32 v16, $0x7  }
0x59: {  	v21 =	vld [tilespmem:$0x190];
	[tilespmem:$0x560] =	vst v4;
	v4 =	vshrl.u32 v17, $0x7  }
0x5a: {  	[tilespmem:$0x760] =	vst v4;
	v4 =	vshrl.u32 v5, $0x7;
	v5 =	vld [tilespmem:$0x390]  }
0x5b: {  	v22 =	vld [tilespmem:$0x1A0];
	[tilespmem:$0x570] =	vst v4;
	v4 =	vshrl.u32 v18, $0x7  }
0x5c: {  	v23 =	vld [tilespmem:$0x3A0];
	[tilespmem:$0x770] =	vst v4;
	v4 =	vshrl.u32 v19, $0x7  }
0x5d: {  	v24 =	vld [tilespmem:$0x1B0];
	[tilespmem:$0x580] =	vst v4;
	v4 =	vshrl.u32 v20, $0x7  }
0x5e: {  	v25 =	vld [tilespmem:$0x3B0];
	[tilespmem:$0x780] =	vst v4;
	v4 =	vshrl.u32 v21, $0x7  }
0x5f: {  	[tilespmem:$0x590] =	vst v4;
	v4 =	vshrl.u32 v5, $0x7;
	v5 =	vld [tilespmem:$0x1C0]  }
0x60: {  	v26 =	vld [tilespmem:$0x3C0];
	[tilespmem:$0x790] =	vst v4;
	v4 =	vshrl.u32 v22, $0x7  }
0x61: {  	v27 =	vld [tilespmem:$0x1D0];
	[tilespmem:$0x5A0] =	vst v4;
	v4 =	vshrl.u32 v23, $0x7  }
0x62: {  	v28 =	vld [tilespmem:$0x3D0];
	[tilespmem:$0x7A0] =	vst v4;
	v4 =	vshrl.u32 v24, $0x7  }
0x63: {  	v29 =	vld [tilespmem:$0x1E0];
	[tilespmem:$0x5B0] =	vst v4;
	v4 =	vshrl.u32 v25, $0x7  }
0x64: {  	[tilespmem:$0x7B0] =	vst v4;
	v4 =	vshrl.u32 v5, $0x7;
	v5 =	vld [tilespmem:$0x3E0]  }
0x65: {  	v30 =	vld [tilespmem:$0x1F0];
	[tilespmem:$0x5C0] =	vst v4;
	v4 =	vshrl.u32 v26, $0x7  }
0x66: {  	v31 =	vld [tilespmem:$0x3F0];
	[tilespmem:$0x7C0] =	vst v4;
	v4 =	vshrl.u32 v27, $0x7  }
0x67: {  	[tilespmem:$0x5D0] =	vst v4;
	v4 =	vshrl.u32 v28, $0x7  }
0x68: {  	[tilespmem:$0x7D0] =	vst v4;
	v4 =	vshrl.u32 v29, $0x7  }
0x69: {  	[tilespmem:$0x5E0] =	vst v4;
	v4 =	vshrl.u32 v5, $0x7  }
0x6a: {  	[tilespmem:$0x7E0] =	vst v4;
	v4 =	vshrl.u32 v30, $0x7  }
0x6b: {  	[tilespmem:$0x5F0] =	vst v4;
	v4 =	vshrl.u32 v31, $0x7  }
0x6c: {  	s21 =	rddreg [dreg:$0x9];
	[tilespmem:$0x7F0] =	vst v4  }
0x6d: {  	[tilespmem:s9], [sflag:$0x3] =	stream.indirect.gather [hbm4b:s3+s8], $0x80, s21, s8, $0xb8;
	[tilespmem:$0x10A00] =	vst v63  }
0x6e: {  	s24 =	rddreg [dreg:$0xa]  }
0x6f: {  	[tilespmem:s10], [sflag:$0x7] =	stream.indirect.gather [hbm4b:s4+s8], $0x80, s24, s8, $0xb8;
	[tilespmem:$0x10A00] =	vst v63  }
0x70: {  	s1 =	rddreg [dreg:$0xb]  }
0x71: {  	[tilespmem:s11], [sflag:$0x4] =	stream.indirect.gather [hbm4b:s3+s8], $0x80, s1, s8, $0xb8;
	[tilespmem:$0x10A00] =	vst v63  }
0x72: {  	s24 =	rddreg [dreg:$0xc]  }
0x73: {  	[tilespmem:s12], [sflag:$0x8] =	stream.indirect.gather [hbm4b:s4+s8], $0x80, s24, s8, $0xb8;
	[tilespmem:$0x10A00] =	vst v63  }
0x74: {  	s1 =	rddreg [dreg:$0xd]  }
0x75: {  	[tilespmem:s13], [sflag:$0x5] =	stream.indirect.gather [hbm4b:s3+s8], $0x80, s1, s8, $0xb8;
	[tilespmem:$0x10A00] =	vst v63  }
0x76: {  	s24 =	rddreg [dreg:$0xe]  }
0x77: {  	[tilespmem:s14], [sflag:$0x9] =	stream.indirect.gather [hbm4b:s4+s8], $0x80, s24, s8, $0xb8;
	[tilespmem:$0x10A00] =	vst v63  }
0x78: {  	s1 =	rddreg [dreg:$0xf]  }
0x79: {  	[tilespmem:s15], [sflag:$0x6] =	stream.indirect.gather [hbm4b:s3+s8], $0x80, s1, s8, $0xb8;
	[tilespmem:$0x10A00] =	vst v63  }
0x7a: {  	s24 =	rddreg [dreg:$0x10]  }
0x7b: {  	[tilespmem:s16], [sflag:$0xA] =	stream.indirect.gather [hbm4b:s4+s8], $0x80, s24, s8, $0xb8;
	[tilespmem:$0x10A00] =	vst v63  }
0x7c: {  	_ =	swait.ge [sflag:s17], $0x2000  }
0x7d: {  	[sflag:s17] =	ssyncset.done $0x0  }
0x7e: {  	[sflag:s17] =	ssyncadd.s32 $0xFFFFE000  }
0x7f: {  	_ =	swait.ge [sflag:s18], $0x2000  }
0x80: {  	[sflag:s18] =	ssyncset.done $0x0  }
0x81: {  	[sflag:s18] =	ssyncadd.s32 $0xFFFFE000  }
0x82: {  	v4 =	vld [tilespmem:$0x0]  }
0x83: {  	v5 =	vld [tilespmem:$0x200];
	_ =	sdelay $0x3  }
0x84: {  	v4 =	vand.u32 $0x7F, v4  }
0x85: {  	v5 =	vand.u32 $0x7F, v5;
	v4 =	vor.u32 v0, v4  }
0x86: {  	v5 =	vor.u32 v0, v5;
	_ =	sdelay $0x1  }
0x87: {  	v32 =	vld [tilespmem:$0x10]  }
0x88: {  	v33 =	vld [tilespmem:$0x210]  }
0x89: {  	v4 =	vld.idx.msk [tilespmem:v4+s9+$0x0], $0xffff  }
0x8a: {  	v5 =	vld.idx.msk [tilespmem:v5+s10+$0x0], $0xffff;
	_ =	sdelay $0x1  }
0x8b: {  	v6 =	vand.u32 $0x7F, v32  }
0x8c: {  	v7 =	vand.u32 $0x7F, v33;
	v6 =	vor.u32 v1, v6  }
0x8d: {  	v7 =	vor.u32 v1, v7  }
0x8e: {  	v4 =	vadd.f32 v5, v4  }
0x8f: {  	v5 =	vld [tilespmem:$0x20]  }
0x90: {  	[tilespmem:$0x800] =	vst v4;
	v4 =	vld [tilespmem:$0x220]  }
0x91: {  	v6 =	vld.idx.msk [tilespmem:v6+s9+$0x0], $0xffff  }
0x92: {  	v7 =	vld.idx.msk [tilespmem:v7+s10+$0x0], $0xffff;
	_ =	sdelay $0x1  }
0x93: {  	v5 =	vand.u32 $0x7F, v5  }
0x94: {  	v5 =	vor.u32 v2, v5;
	v4 =	vand.u32 $0x7F, v4  }
0x95: {  	v4 =	vor.u32 v2, v4  }
0x96: {  	v6 =	vadd.f32 v7, v6  }
0x97: {  	v34 =	vld [tilespmem:$0x30]  }
0x98: {  	v35 =	vld [tilespmem:$0x230];
	[tilespmem:$0x810] =	vst v6  }
0x99: {  	v5 =	vld.idx.msk [tilespmem:v5+s9+$0x0], $0xffff  }
0x9a: {  	v4 =	vld.idx.msk [tilespmem:v4+s10+$0x0], $0xffff;
	_ =	sdelay $0x1  }
0x9b: {  	v7 =	vand.u32 $0x7F, v34  }
0x9c: {  	v7 =	vor.u32 v3, v7;
	v6 =	vand.u32 $0x7F, v35  }
0x9d: {  	v6 =	vor.u32 v3, v6  }
0x9e: {  	v4 =	vadd.f32 v4, v5;
	_ =	sdelay $0x1  }
0x9f: {  	[tilespmem:$0x820] =	vst v4  }
0xa0: {  	v4 =	vld.idx.msk [tilespmem:v7+s9+$0x0], $0xffff  }
0xa1: {  	v5 =	vld.idx.msk [tilespmem:v6+s10+$0x0], $0xffff;
	_ =	sdelay $0x4  }
0xa2: {  	v4 =	vadd.f32 v5, v4;
	_ =	sdelay $0x1  }
0xa3: {  	s21 =	rddreg [dreg:$0x11];
	[tilespmem:$0x830] =	vst v4  }
0xa4: {  	[tilespmem:s9], [sflag:$0x3] =	stream.indirect.gather [hbm4b:s3+s8], $0x80, s21, s8, $0xb8;
	[tilespmem:$0x10A00] =	vst v63  }
0xa5: {  	s24 =	rddreg [dreg:$0x12]  }
0xa6: {  	[tilespmem:s10], [sflag:$0x7] =	stream.indirect.gather [hbm4b:s4+s8], $0x80, s24, s8, $0xb8;
	[tilespmem:$0x10A00] =	vst v63  }
0xa7: {  	_ =	swait.ge [sflag:s19], $0x2000  }
0xa8: {  	[sflag:s19] =	ssyncset.done $0x0  }
0xa9: {  	[sflag:s19] =	ssyncadd.s32 $0xFFFFE000  }
0xaa: {  	_ =	swait.ge [sflag:s20], $0x2000  }
0xab: {  	[sflag:s20] =	ssyncset.done $0x0  }
0xac: {  	[sflag:s20] =	ssyncadd.s32 $0xFFFFE000  }
0xad: {  	v4 =	vld [tilespmem:$0x40]  }
0xae: {  	v5 =	vld [tilespmem:$0x240];
	_ =	sdelay $0x3  }
0xaf: {  	v4 =	vand.u32 $0x7F, v4  }
0xb0: {  	v5 =	vand.u32 $0x7F, v5;
	v4 =	vor.u32 v0, v4  }
0xb1: {  	v5 =	vor.u32 v0, v5;
	_ =	sdelay $0x1  }
0xb2: {  	v36 =	vld [tilespmem:$0x50]  }
0xb3: {  	v37 =	vld [tilespmem:$0x250]  }
0xb4: {  	v4 =	vld.idx.msk [tilespmem:v4+s11+$0x0], $0xffff  }
0xb5: {  	v5 =	vld.idx.msk [tilespmem:v5+s12+$0x0], $0xffff;
	_ =	sdelay $0x1  }
0xb6: {  	v6 =	vand.u32 $0x7F, v36  }
0xb7: {  	v7 =	vand.u32 $0x7F, v37;
	v6 =	vor.u32 v1, v6  }
0xb8: {  	v7 =	vor.u32 v1, v7  }
0xb9: {  	v4 =	vadd.f32 v5, v4  }
0xba: {  	v5 =	vld [tilespmem:$0x60]  }
0xbb: {  	[tilespmem:$0x840] =	vst v4;
	v4 =	vld [tilespmem:$0x260]  }
0xbc: {  	v6 =	vld.idx.msk [tilespmem:v6+s11+$0x0], $0xffff  }
0xbd: {  	v7 =	vld.idx.msk [tilespmem:v7+s12+$0x0], $0xffff;
	_ =	sdelay $0x1  }
0xbe: {  	v5 =	vand.u32 $0x7F, v5  }
0xbf: {  	v5 =	vor.u32 v2, v5;
	v4 =	vand.u32 $0x7F, v4  }
0xc0: {  	v4 =	vor.u32 v2, v4  }
0xc1: {  	v6 =	vadd.f32 v7, v6  }
0xc2: {  	v38 =	vld [tilespmem:$0x70]  }
0xc3: {  	v39 =	vld [tilespmem:$0x270];
	[tilespmem:$0x850] =	vst v6  }
0xc4: {  	v5 =	vld.idx.msk [tilespmem:v5+s11+$0x0], $0xffff  }
0xc5: {  	v4 =	vld.idx.msk [tilespmem:v4+s12+$0x0], $0xffff;
	_ =	sdelay $0x1  }
0xc6: {  	v7 =	vand.u32 $0x7F, v38  }
0xc7: {  	v7 =	vor.u32 v3, v7;
	v6 =	vand.u32 $0x7F, v39  }
0xc8: {  	v6 =	vor.u32 v3, v6  }
0xc9: {  	v4 =	vadd.f32 v4, v5;
	_ =	sdelay $0x1  }
0xca: {  	[tilespmem:$0x860] =	vst v4  }
0xcb: {  	v4 =	vld.idx.msk [tilespmem:v7+s11+$0x0], $0xffff  }
0xcc: {  	v5 =	vld.idx.msk [tilespmem:v6+s12+$0x0], $0xffff;
	_ =	sdelay $0x4  }
0xcd: {  	v4 =	vadd.f32 v5, v4;
	_ =	sdelay $0x1  }
0xce: {  	s21 =	rddreg [dreg:$0x13];
	[tilespmem:$0x870] =	vst v4  }
0xcf: {  	[tilespmem:s11], [sflag:$0x4] =	stream.indirect.gather [hbm4b:s3+s8], $0x80, s21, s8, $0xb8;
	[tilespmem:$0x10A00] =	vst v63  }
0xd0: {  	s24 =	simm.s32 $0x740  }
0xd1: {  	[tilespmem:s12], [sflag:$0x8] =	stream.indirect.gather [hbm4b:s4+s8], $0x80, s24, s8, $0xb8;
	[tilespmem:$0x10A00] =	vst v63  }
0xd2: {  	_ =	swait.ge [sflag:s22], $0x2000  }
0xd3: {  	[sflag:s22] =	ssyncset.done $0x0  }
0xd4: {  	[sflag:s22] =	ssyncadd.s32 $0xFFFFE000  }
0xd5: {  	_ =	swait.ge [sflag:s23], $0x2000  }
0xd6: {  	[sflag:s23] =	ssyncset.done $0x0  }
0xd7: {  	[sflag:s23] =	ssyncadd.s32 $0xFFFFE000  }
0xd8: {  	v4 =	vld [tilespmem:$0x80]  }
0xd9: {  	v5 =	vld [tilespmem:$0x280];
	_ =	sdelay $0x3  }
0xda: {  	v4 =	vand.u32 $0x7F, v4  }
0xdb: {  	v5 =	vand.u32 $0x7F, v5;
	v4 =	vor.u32 v0, v4  }
0xdc: {  	v5 =	vor.u32 v0, v5;
	_ =	sdelay $0x1  }
0xdd: {  	v40 =	vld [tilespmem:$0x90]  }
0xde: {  	v41 =	vld [tilespmem:$0x290]  }
0xdf: {  	v4 =	vld.idx.msk [tilespmem:v4+s13+$0x0], $0xffff  }
0xe0: {  	v5 =	vld.idx.msk [tilespmem:v5+s14+$0x0], $0xffff;
	_ =	sdelay $0x1  }
0xe1: {  	v6 =	vand.u32 $0x7F, v40  }
0xe2: {  	v7 =	vand.u32 $0x7F, v41;
	v6 =	vor.u32 v1, v6  }
0xe3: {  	v7 =	vor.u32 v1, v7  }
0xe4: {  	v4 =	vadd.f32 v5, v4  }
0xe5: {  	v5 =	vld [tilespmem:$0xA0]  }
0xe6: {  	[tilespmem:$0x880] =	vst v4;
	v4 =	vld [tilespmem:$0x2A0]  }
0xe7: {  	v6 =	vld.idx.msk [tilespmem:v6+s13+$0x0], $0xffff  }
0xe8: {  	v7 =	vld.idx.msk [tilespmem:v7+s14+$0x0], $0xffff;
	_ =	sdelay $0x1  }
0xe9: {  	v5 =	vand.u32 $0x7F, v5  }
0xea: {  	v5 =	vor.u32 v2, v5;
	v4 =	vand.u32 $0x7F, v4  }
0xeb: {  	v4 =	vor.u32 v2, v4  }
0xec: {  	v6 =	vadd.f32 v7, v6  }
0xed: {  	v42 =	vld [tilespmem:$0xB0]  }
0xee: {  	v43 =	vld [tilespmem:$0x2B0];
	[tilespmem:$0x890] =	vst v6  }
0xef: {  	v5 =	vld.idx.msk [tilespmem:v5+s13+$0x0], $0xffff  }
0xf0: {  	v4 =	vld.idx.msk [tilespmem:v4+s14+$0x0], $0xffff;
	_ =	sdelay $0x1  }
0xf1: {  	v7 =	vand.u32 $0x7F, v42  }
0xf2: {  	v7 =	vor.u32 v3, v7;
	v6 =	vand.u32 $0x7F, v43  }
0xf3: {  	v6 =	vor.u32 v3, v6  }
0xf4: {  	v4 =	vadd.f32 v4, v5;
	_ =	sdelay $0x1  }
0xf5: {  	[tilespmem:$0x8A0] =	vst v4  }
0xf6: {  	v4 =	vld.idx.msk [tilespmem:v7+s13+$0x0], $0xffff  }
0xf7: {  	v5 =	vld.idx.msk [tilespmem:v6+s14+$0x0], $0xffff;
	_ =	sdelay $0x4  }
0xf8: {  	v4 =	vadd.f32 v5, v4;
	_ =	sdelay $0x1  }
0xf9: {  	s21 =	simm.s32 $0x580;
	[tilespmem:$0x8B0] =	vst v4  }
0xfa: {  	[tilespmem:s13], [sflag:$0x5] =	stream.indirect.gather [hbm4b:s3+s8], $0x80, s21, s8, $0xb8;
	[tilespmem:$0x10A00] =	vst v63  }
0xfb: {  	_ = 	snop  }
0xfc: {  	[tilespmem:s14], [sflag:$0x9] =	stream.indirect.gather [hbm4b:s4+s8], $0x80, s25, s8, $0xb8;
	[tilespmem:$0x10A00] =	vst v63  }
0xfd: {  	_ =	swait.ge [sflag:s26], $0x2000  }
0xfe: {  	[sflag:s26] =	ssyncset.done $0x0  }
0xff: {  	[sflag:s26] =	ssyncadd.s32 $0xFFFFE000  }
0x100: {  	_ =	swait.ge [sflag:s28], $0x2000  }
0x101: {  	[sflag:s28] =	ssyncset.done $0x0  }
0x102: {  	[sflag:s28] =	ssyncadd.s32 $0xFFFFE000  }
0x103: {  	v4 =	vld [tilespmem:$0xC0]  }
0x104: {  	v5 =	vld [tilespmem:$0x2C0];
	_ =	sdelay $0x3  }
0x105: {  	v4 =	vand.u32 $0x7F, v4  }
0x106: {  	v5 =	vand.u32 $0x7F, v5;
	v4 =	vor.u32 v0, v4  }
0x107: {  	v5 =	vor.u32 v0, v5;
	_ =	sdelay $0x1  }
0x108: {  	v44 =	vld [tilespmem:$0xD0]  }
0x109: {  	v45 =	vld [tilespmem:$0x2D0]  }
0x10a: {  	v4 =	vld.idx.msk [tilespmem:v4+s15+$0x0], $0xffff  }
0x10b: {  	v5 =	vld.idx.msk [tilespmem:v5+s16+$0x0], $0xffff;
	_ =	sdelay $0x1  }
0x10c: {  	v6 =	vand.u32 $0x7F, v44  }
0x10d: {  	v7 =	vand.u32 $0x7F, v45;
	v6 =	vor.u32 v1, v6  }
0x10e: {  	v7 =	vor.u32 v1, v7  }
0x10f: {  	v4 =	vadd.f32 v5, v4  }
0x110: {  	v5 =	vld [tilespmem:$0xE0]  }
0x111: {  	[tilespmem:$0x8C0] =	vst v4;
	v4 =	vld [tilespmem:$0x2E0]  }
0x112: {  	v6 =	vld.idx.msk [tilespmem:v6+s15+$0x0], $0xffff  }
0x113: {  	v7 =	vld.idx.msk [tilespmem:v7+s16+$0x0], $0xffff;
	_ =	sdelay $0x1  }
0x114: {  	v5 =	vand.u32 $0x7F, v5  }
0x115: {  	v5 =	vor.u32 v2, v5;
	v4 =	vand.u32 $0x7F, v4  }
0x116: {  	v4 =	vor.u32 v2, v4  }
0x117: {  	v6 =	vadd.f32 v7, v6  }
0x118: {  	v46 =	vld [tilespmem:$0xF0]  }
0x119: {  	v47 =	vld [tilespmem:$0x2F0];
	[tilespmem:$0x8D0] =	vst v6  }
0x11a: {  	v5 =	vld.idx.msk [tilespmem:v5+s15+$0x0], $0xffff  }
0x11b: {  	v4 =	vld.idx.msk [tilespmem:v4+s16+$0x0], $0xffff;
	_ =	sdelay $0x1  }
0x11c: {  	v7 =	vand.u32 $0x7F, v46  }
0x11d: {  	v7 =	vor.u32 v3, v7;
	v6 =	vand.u32 $0x7F, v47  }
0x11e: {  	v6 =	vor.u32 v3, v6  }
0x11f: {  	v4 =	vadd.f32 v4, v5;
	_ =	sdelay $0x1  }
0x120: {  	[tilespmem:$0x8E0] =	vst v4  }
0x121: {  	v4 =	vld.idx.msk [tilespmem:v7+s15+$0x0], $0xffff  }
0x122: {  	v5 =	vld.idx.msk [tilespmem:v6+s16+$0x0], $0xffff;
	_ =	sdelay $0x4  }
0x123: {  	v4 =	vadd.f32 v5, v4;
	_ =	sdelay $0x1  }
0x124: {  	[tilespmem:$0x8F0] =	vst v4  }
0x125: {  	[tilespmem:s15], [sflag:$0x6] =	stream.indirect.gather [hbm4b:s3+s8], $0x80, s29, s8, $0xb8;
	[tilespmem:$0x10A00] =	vst v63  }
0x126: {  	_ = 	snop  }
0x127: {  	[tilespmem:s16], [sflag:$0xA] =	stream.indirect.gather [hbm4b:s4+s8], $0x80, s30, s8, $0xb8;
	[tilespmem:$0x10A00] =	vst v63  }
0x128: {  	_ =	swait.ge [sflag:s17], $0x2000  }
0x129: {  	[sflag:s17] =	ssyncset.done $0x0  }
0x12a: {  	[sflag:s17] =	ssyncadd.s32 $0xFFFFE000  }
0x12b: {  	_ =	swait.ge [sflag:s18], $0x2000  }
0x12c: {  	[sflag:s18] =	ssyncset.done $0x0  }
0x12d: {  	[sflag:s18] =	ssyncadd.s32 $0xFFFFE000  }
0x12e: {  	v4 =	vld [tilespmem:$0x100]  }
0x12f: {  	v5 =	vld [tilespmem:$0x300];
	_ =	sdelay $0x3  }
0x130: {  	v4 =	vand.u32 $0x7F, v4  }
0x131: {  	v5 =	vand.u32 $0x7F, v5;
	v4 =	vor.u32 v0, v4  }
0x132: {  	v5 =	vor.u32 v0, v5;
	_ =	sdelay $0x1  }
0x133: {  	v48 =	vld [tilespmem:$0x110]  }
0x134: {  	v49 =	vld [tilespmem:$0x310]  }
0x135: {  	v4 =	vld.idx.msk [tilespmem:v4+s9+$0x0], $0xffff  }
0x136: {  	v5 =	vld.idx.msk [tilespmem:v5+s10+$0x0], $0xffff;
	_ =	sdelay $0x1  }
0x137: {  	v6 =	vand.u32 $0x7F, v48  }
0x138: {  	v7 =	vand.u32 $0x7F, v49;
	v6 =	vor.u32 v1, v6  }
0x139: {  	v7 =	vor.u32 v1, v7  }
0x13a: {  	v4 =	vadd.f32 v5, v4  }
0x13b: {  	v5 =	vld [tilespmem:$0x120]  }
0x13c: {  	[tilespmem:$0x900] =	vst v4;
	v4 =	vld [tilespmem:$0x320]  }
0x13d: {  	v6 =	vld.idx.msk [tilespmem:v6+s9+$0x0], $0xffff  }
0x13e: {  	v7 =	vld.idx.msk [tilespmem:v7+s10+$0x0], $0xffff;
	_ =	sdelay $0x1  }
0x13f: {  	v5 =	vand.u32 $0x7F, v5  }
0x140: {  	v5 =	vor.u32 v2, v5;
	v4 =	vand.u32 $0x7F, v4  }
0x141: {  	v4 =	vor.u32 v2, v4  }
0x142: {  	v6 =	vadd.f32 v7, v6  }
0x143: {  	v50 =	vld [tilespmem:$0x130]  }
0x144: {  	v51 =	vld [tilespmem:$0x330];
	[tilespmem:$0x910] =	vst v6  }
0x145: {  	v5 =	vld.idx.msk [tilespmem:v5+s9+$0x0], $0xffff  }
0x146: {  	v4 =	vld.idx.msk [tilespmem:v4+s10+$0x0], $0xffff;
	_ =	sdelay $0x1  }
0x147: {  	v7 =	vand.u32 $0x7F, v50  }
0x148: {  	v7 =	vor.u32 v3, v7;
	v6 =	vand.u32 $0x7F, v51  }
0x149: {  	v6 =	vor.u32 v3, v6  }
0x14a: {  	v4 =	vadd.f32 v4, v5;
	_ =	sdelay $0x1  }
0x14b: {  	[tilespmem:$0x920] =	vst v4  }
0x14c: {  	v4 =	vld.idx.msk [tilespmem:v7+s9+$0x0], $0xffff  }
0x14d: {  	v5 =	vld.idx.msk [tilespmem:v6+s10+$0x0], $0xffff;
	_ =	sdelay $0x4  }
0x14e: {  	v4 =	vadd.f32 v5, v4;
	_ =	sdelay $0x1  }
0x14f: {  	[tilespmem:$0x930] =	vst v4  }
0x150: {  	_ =	swait.ge [sflag:s19], $0x2000  }
0x151: {  	[sflag:s19] =	ssyncset.done $0x0  }
0x152: {  	[sflag:s19] =	ssyncadd.s32 $0xFFFFE000  }
0x153: {  	_ =	swait.ge [sflag:s20], $0x2000  }
0x154: {  	[sflag:s20] =	ssyncset.done $0x0  }
0x155: {  	[sflag:s20] =	ssyncadd.s32 $0xFFFFE000  }
0x156: {  	v4 =	vld [tilespmem:$0x140]  }
0x157: {  	v5 =	vld [tilespmem:$0x340];
	_ =	sdelay $0x3  }
0x158: {  	v4 =	vand.u32 $0x7F, v4  }
0x159: {  	v5 =	vand.u32 $0x7F, v5;
	v4 =	vor.u32 v0, v4  }
0x15a: {  	v5 =	vor.u32 v0, v5;
	_ =	sdelay $0x1  }
0x15b: {  	v52 =	vld [tilespmem:$0x150]  }
0x15c: {  	v53 =	vld [tilespmem:$0x350]  }
0x15d: {  	v4 =	vld.idx.msk [tilespmem:v4+s11+$0x0], $0xffff  }
0x15e: {  	v5 =	vld.idx.msk [tilespmem:v5+s12+$0x0], $0xffff;
	_ =	sdelay $0x1  }
0x15f: {  	v6 =	vand.u32 $0x7F, v52  }
0x160: {  	v7 =	vand.u32 $0x7F, v53;
	v6 =	vor.u32 v1, v6  }
0x161: {  	v7 =	vor.u32 v1, v7  }
0x162: {  	v4 =	vadd.f32 v5, v4  }
0x163: {  	v5 =	vld [tilespmem:$0x160]  }
0x164: {  	[tilespmem:$0x940] =	vst v4;
	v4 =	vld [tilespmem:$0x360]  }
0x165: {  	v6 =	vld.idx.msk [tilespmem:v6+s11+$0x0], $0xffff  }
0x166: {  	v7 =	vld.idx.msk [tilespmem:v7+s12+$0x0], $0xffff;
	_ =	sdelay $0x1  }
0x167: {  	v5 =	vand.u32 $0x7F, v5  }
0x168: {  	v5 =	vor.u32 v2, v5;
	v4 =	vand.u32 $0x7F, v4  }
0x169: {  	v4 =	vor.u32 v2, v4  }
0x16a: {  	v6 =	vadd.f32 v7, v6  }
0x16b: {  	v54 =	vld [tilespmem:$0x170]  }
0x16c: {  	v55 =	vld [tilespmem:$0x370];
	[tilespmem:$0x950] =	vst v6  }
0x16d: {  	v5 =	vld.idx.msk [tilespmem:v5+s11+$0x0], $0xffff  }
0x16e: {  	v4 =	vld.idx.msk [tilespmem:v4+s12+$0x0], $0xffff;
	_ =	sdelay $0x1  }
0x16f: {  	v7 =	vand.u32 $0x7F, v54  }
0x170: {  	v7 =	vor.u32 v3, v7;
	v6 =	vand.u32 $0x7F, v55  }
0x171: {  	v6 =	vor.u32 v3, v6  }
0x172: {  	v4 =	vadd.f32 v4, v5;
	_ =	sdelay $0x1  }
0x173: {  	[tilespmem:$0x960] =	vst v4  }
0x174: {  	v4 =	vld.idx.msk [tilespmem:v7+s11+$0x0], $0xffff  }
0x175: {  	v5 =	vld.idx.msk [tilespmem:v6+s12+$0x0], $0xffff;
	_ =	sdelay $0x4  }
0x176: {  	v4 =	vadd.f32 v5, v4;
	_ =	sdelay $0x1  }
0x177: {  	[tilespmem:$0x970] =	vst v4  }
0x178: {  	_ =	swait.ge [sflag:s22], $0x2000  }
0x179: {  	[sflag:s22] =	ssyncset.done $0x0  }
0x17a: {  	[sflag:s22] =	ssyncadd.s32 $0xFFFFE000  }
0x17b: {  	_ =	swait.ge [sflag:s23], $0x2000  }
0x17c: {  	[sflag:s23] =	ssyncset.done $0x0  }
0x17d: {  	[sflag:s23] =	ssyncadd.s32 $0xFFFFE000  }
0x17e: {  	v4 =	vld [tilespmem:$0x180]  }
0x17f: {  	v5 =	vld [tilespmem:$0x380];
	_ =	sdelay $0x3  }
0x180: {  	v4 =	vand.u32 $0x7F, v4  }
0x181: {  	v5 =	vand.u32 $0x7F, v5;
	v4 =	vor.u32 v0, v4  }
0x182: {  	v5 =	vor.u32 v0, v5;
	_ =	sdelay $0x1  }
0x183: {  	v56 =	vld [tilespmem:$0x190]  }
0x184: {  	v57 =	vld [tilespmem:$0x390]  }
0x185: {  	v4 =	vld.idx.msk [tilespmem:v4+s13+$0x0], $0xffff  }
0x186: {  	v5 =	vld.idx.msk [tilespmem:v5+s14+$0x0], $0xffff;
	_ =	sdelay $0x1  }
0x187: {  	v6 =	vand.u32 $0x7F, v56  }
0x188: {  	v7 =	vand.u32 $0x7F, v57;
	v6 =	vor.u32 v1, v6  }
0x189: {  	v7 =	vor.u32 v1, v7  }
0x18a: {  	v4 =	vadd.f32 v5, v4  }
0x18b: {  	v5 =	vld [tilespmem:$0x1A0]  }
0x18c: {  	[tilespmem:$0x980] =	vst v4;
	v4 =	vld [tilespmem:$0x3A0]  }
0x18d: {  	v6 =	vld.idx.msk [tilespmem:v6+s13+$0x0], $0xffff  }
0x18e: {  	v7 =	vld.idx.msk [tilespmem:v7+s14+$0x0], $0xffff;
	_ =	sdelay $0x1  }
0x18f: {  	v5 =	vand.u32 $0x7F, v5  }
0x190: {  	v5 =	vor.u32 v2, v5;
	v4 =	vand.u32 $0x7F, v4  }
0x191: {  	v4 =	vor.u32 v2, v4  }
0x192: {  	v6 =	vadd.f32 v7, v6  }
0x193: {  	v58 =	vld [tilespmem:$0x1B0]  }
0x194: {  	v59 =	vld [tilespmem:$0x3B0];
	[tilespmem:$0x990] =	vst v6  }
0x195: {  	v5 =	vld.idx.msk [tilespmem:v5+s13+$0x0], $0xffff  }
0x196: {  	v4 =	vld.idx.msk [tilespmem:v4+s14+$0x0], $0xffff;
	_ =	sdelay $0x1  }
0x197: {  	v7 =	vand.u32 $0x7F, v58  }
0x198: {  	v7 =	vor.u32 v3, v7;
	v6 =	vand.u32 $0x7F, v59  }
0x199: {  	v6 =	vor.u32 v3, v6  }
0x19a: {  	v4 =	vadd.f32 v4, v5;
	_ =	sdelay $0x1  }
0x19b: {  	[tilespmem:$0x9A0] =	vst v4  }
0x19c: {  	v4 =	vld.idx.msk [tilespmem:v7+s13+$0x0], $0xffff  }
0x19d: {  	v5 =	vld.idx.msk [tilespmem:v6+s14+$0x0], $0xffff;
	_ =	sdelay $0x4  }
0x19e: {  	v4 =	vadd.f32 v5, v4;
	_ =	sdelay $0x1  }
0x19f: {  	[tilespmem:$0x9B0] =	vst v4  }
0x1a0: {  	_ =	swait.ge [sflag:s26], $0x2000  }
0x1a1: {  	[sflag:s26] =	ssyncset.done $0x0  }
0x1a2: {  	[sflag:s26] =	ssyncadd.s32 $0xFFFFE000  }
0x1a3: {  	_ =	swait.ge [sflag:s28], $0x2000  }
0x1a4: {  	[sflag:s28] =	ssyncset.done $0x0  }
0x1a5: {  	[sflag:s28] =	ssyncadd.s32 $0xFFFFE000  }
0x1a6: {  	v4 =	vld [tilespmem:$0x1C0]  }
0x1a7: {  	v5 =	vld [tilespmem:$0x3C0];
	_ =	sdelay $0x3  }
0x1a8: {  	v4 =	vand.u32 $0x7F, v4  }
0x1a9: {  	v5 =	vand.u32 $0x7F, v5;
	v4 =	vor.u32 v0, v4  }
0x1aa: {  	v5 =	vor.u32 v0, v5;
	_ =	sdelay $0x1  }
0x1ab: {  	v60 =	vld [tilespmem:$0x1D0]  }
0x1ac: {  	v61 =	vld [tilespmem:$0x3D0]  }
0x1ad: {  	v4 =	vld.idx.msk [tilespmem:v4+s15+$0x0], $0xffff  }
0x1ae: {  	v5 =	vld.idx.msk [tilespmem:v5+s16+$0x0], $0xffff;
	_ =	sdelay $0x1  }
0x1af: {  	v6 =	vand.u32 $0x7F, v60  }
0x1b0: {  	v7 =	vand.u32 $0x7F, v61;
	v6 =	vor.u32 v1, v6  }
0x1b1: {  	v7 =	vor.u32 v1, v7  }
0x1b2: {  	v4 =	vadd.f32 v5, v4  }
0x1b3: {  	v5 =	vld [tilespmem:$0x1E0]  }
0x1b4: {  	[tilespmem:$0x9C0] =	vst v4;
	v4 =	vld [tilespmem:$0x3E0]  }
0x1b5: {  	v6 =	vld.idx.msk [tilespmem:v6+s15+$0x0], $0xffff  }
0x1b6: {  	v7 =	vld.idx.msk [tilespmem:v7+s16+$0x0], $0xffff;
	_ =	sdelay $0x1  }
0x1b7: {  	v5 =	vand.u32 $0x7F, v5  }
0x1b8: {  	v5 =	vor.u32 v2, v5;
	v4 =	vand.u32 $0x7F, v4  }
0x1b9: {  	v4 =	vor.u32 v2, v4  }
0x1ba: {  	v6 =	vadd.f32 v7, v6  }
0x1bb: {  	v62 =	vld [tilespmem:$0x1F0]  }
0x1bc: {  	v63 =	vld [tilespmem:$0x3F0];
	[tilespmem:$0x9D0] =	vst v6  }
0x1bd: {  	v5 =	vld.idx.msk [tilespmem:v5+s15+$0x0], $0xffff  }
0x1be: {  	v4 =	vld.idx.msk [tilespmem:v4+s16+$0x0], $0xffff;
	_ =	sdelay $0x1  }
0x1bf: {  	v7 =	vand.u32 $0x7F, v62  }
0x1c0: {  	v7 =	vor.u32 v3, v7;
	v6 =	vand.u32 $0x7F, v63  }
0x1c1: {  	v6 =	vor.u32 v3, v6  }
0x1c2: {  	v4 =	vadd.f32 v4, v5;
	_ =	sdelay $0x1  }
0x1c3: {  	[tilespmem:$0x9E0] =	vst v4  }
0x1c4: {  	v4 =	vld.idx.msk [tilespmem:v7+s15+$0x0], $0xffff  }
0x1c5: {  	v5 =	vld.idx.msk [tilespmem:v6+s16+$0x0], $0xffff;
	_ =	sdelay $0x4  }
0x1c6: {  	v4 =	vadd.f32 v5, v4  }
0x1c7: {  	p0 =	sne.s32 s5, $0x1  }
.Ltmp0:
0x1c8: {  	s24 =	rddreg [dreg:$0x7];
	[tilespmem:$0x9F0] =	vst v4;
	(pc) =	sbr.rel @p0 .LBB2_1-.Ltmp0, $4  }
0x1c9: {  	[hbm4b:s24+s2] =	stream.linear.scatter [tilespmem:s31], [sflag:$0xB], $0x200, $0x38;
	[tilespmem:$0x10A00] =	vst v63  }
0x1ca: {  	_ =	swait.ge [sflag:s0], $0x200  }
0x1cb: {  	[sflag:s0] =	ssyncset.done $0x0  }
0x1cc: {  	s5 =	sadd.s32 $0xFFFFFFFF, s5;
	[sflag:s0] =	ssyncadd.s32 $0xFFFFFE00  }
0x1cd: {  	_ =	sfence.sel $0x180000  }
0x1ce: {  	[bflag:$0x0] =	sbarrier.arrive $0xFFFF  }
0x1cf: {  	_ =	strace $0x90000047  }
0x1d0: {  	s0 =	stileid.u32;
	[bflag:$0x2] =	sbarrier.arrive $0xFFFF  }
0x1d1: {  	p0 =	sne.s32 s0, $0x0;
	s0 =	rddreg [dreg:$0x4]  }
0x1d2: {  	s0 =	sadd.s32 @!p0 $0x100000, s0  }
0x1d3: {  	[sflag:s0] =	ssyncadd.tile.s32 @!p0 $0x1;
	_ =	shalt  }
.Lfunc_end2:
_tile_overlayer_lowered:
.L_overlay_start_2:
0x1d4: {  	(tag) =	ssettag $0x2  }
0x1d5: {  	s0 =	rddreg [dreg:$0x0];
	s2 =	stileid.u32  }
0x1d6: {  	s1 =	rddreg [dreg:$0x1];
	p0 =	sne.s32 s2, $0x0  }
0x1d7: {  	s3 =	rddreg [dreg:$0x2];
	[bflag:$0x3] =	sbarrier.arrive $0xFFFF;
	s2 =	simm.s32 @!p0 $0x1C0B  }
0x1d8: {  	[timem:s3], [sflag:s2] =	dma.local @!p0 [hbm:s0], s1  }
0x1d9: {  	s0 =	simm.s32 @!p0 $0xB  }
0x1da: {  	_ =	swait.ge @!p0 [sflag:s0], s1  }
0x1db: {  	s1 =	ssub.s32 @!p0 $0x0, s1;
	[sflag:s0] =	ssyncset.done @!p0 $0x0  }
0x1dc: {  	[sflag:s0] =	ssyncadd.s32 @!p0 s1  }
0x1dd: {  	[bflag:$0x3] =	sbarrier.arrive $0xFFFF  }
0x1de: {  	_ =	shalt  }

</sc_bundles>
